<compile_context>
chip_gen: v7x
topology: tpu7x:2x2x1
jax: 0.10.2.dev20260603
libtpu: 0.0.44.dev20260713+nightly
codegen_flags: <defaults>
</compile_context>

<pallas_src>
import functools

import jax
import jax.numpy as jnp
from jax import lax
from jax.experimental import pallas as pl
from jax.experimental.pallas import tpu as pltpu
from jax.experimental.pallas import tpu_sc as plsc

VOCAB = 1000000 + 999 + 1
SEQ = 200
EMB = 64
BATCH = 4096
EPS = 1e-12

CHUNK = 100
CHUNK_PAD = 104
NCHUNK = BATCH * SEQ // CHUNK
NWORKERS = 32
PER_W = NCHUNK // NWORKERS


def _lane_sum(v):
    iota = lax.iota(jnp.int32, 16)
    for k in (1, 2, 4, 8):
        v = v + v.at[iota ^ k].get(mode="promise_in_bounds")
    return v


def _rsqrt_newton(x):
    xi = lax.bitcast_convert_type(x, jnp.int32)
    yi = jnp.int32(0x5F3759DF) - (xi >> 1)
    y = lax.bitcast_convert_type(yi, jnp.float32)
    for _ in range(3):
        y = y * (1.5 - 0.5 * x * y * y)
    return y


def _sc_body(word_hbm, idx1_hbm, idx2_hbm, pos_hbm, gam_hbm, bet_hbm,
             out_hbm,
             idx1_v, idx2_v, rows1_v, rows2_v, out_v, pos_v, gam_v, bet_v,
             sem):
    wid = lax.axis_index("s") * 2 + lax.axis_index("c")
    base = wid * PER_W

    pltpu.sync_copy(pos_hbm, pos_v)
    pltpu.sync_copy(gam_hbm, gam_v)
    pltpu.sync_copy(bet_hbm, bet_v)

    gvec = [gam_v[pl.ds(16 * i, 16)] for i in range(4)]
    bvec = [bet_v[pl.ds(16 * i, 16)] for i in range(4)]
    inv_e = jnp.float32(1.0 / EMB)

    def do_chunk(k, carry):
        c = base + k
        pos_off = (c % 2) * CHUNK

        pltpu.sync_copy(idx1_hbm.at[c], idx1_v)
        pltpu.sync_copy(idx2_hbm.at[c], idx2_v)
        cp1 = pltpu.async_copy(word_hbm.at[idx1_v], rows1_v, sem)
        cp2 = pltpu.async_copy(word_hbm.at[idx2_v], rows2_v, sem)
        cp1.wait()
        cp2.wait()

        def token(t, _):
            e = []
            for i in range(4):
                a = rows1_v[t, pl.ds(16 * i, 16)]
                b = rows2_v[t, pl.ds(16 * i, 16)]
                p = pos_v[pos_off + t, pl.ds(16 * i, 16)]
                e.append(a + b + p)
            tot = _lane_sum((e[0] + e[1]) + (e[2] + e[3]))
            mean = tot * inv_e
            d = [ei - mean for ei in e]
            q = (d[0] * d[0] + d[1] * d[1]) + (d[2] * d[2] + d[3] * d[3])
            var = _lane_sum(q) * inv_e
            scale = _rsqrt_newton(var + EPS)
            for i in range(4):
                out_v[t, pl.ds(16 * i, 16)] = (d[i] * scale) * gvec[i] + bvec[i]
            return _

        lax.fori_loop(0, CHUNK, token, 0, unroll=False)
        pltpu.sync_copy(out_v, out_hbm.at[c])
        return carry

    lax.fori_loop(0, PER_W, do_chunk, 0, unroll=False)


@functools.partial(jax.jit, static_argnames=())
def _run(word, idx1p, idx2p, position, gamma, beta):
    mesh = plsc.VectorSubcoreMesh(core_axis_name="c", subcore_axis_name="s")
    kfn = pl.kernel(
        _sc_body,
        mesh=mesh,
        compiler_params=pltpu.CompilerParams(use_tc_tiling_on_sc=False),
        out_type=jax.ShapeDtypeStruct((NCHUNK, CHUNK, EMB), jnp.float32),
        scratch_types=[
            pltpu.VMEM((CHUNK_PAD,), jnp.int32),
            pltpu.VMEM((CHUNK_PAD,), jnp.int32),
            pltpu.VMEM((CHUNK_PAD, EMB), jnp.float32),
            pltpu.VMEM((CHUNK_PAD, EMB), jnp.float32),
            pltpu.VMEM((CHUNK, EMB), jnp.float32),
            pltpu.VMEM((SEQ, EMB), jnp.float32),
            pltpu.VMEM((EMB,), jnp.float32),
            pltpu.VMEM((EMB,), jnp.float32),
            pltpu.SemaphoreType.DMA,
        ],
    )
    return kfn(word, idx1p, idx2p, position, gamma, beta)


def kernel(_input, word, position, gamma, beta):
    vocab_size = word.shape[0]
    idx = ((_input + vocab_size) % vocab_size).astype(jnp.int32)
    idx1 = idx[:, :, 0].reshape(NCHUNK, CHUNK)
    idx2 = idx[:, :, 1].reshape(NCHUNK, CHUNK)
    pad = ((0, 0), (0, CHUNK_PAD - CHUNK))
    idx1p = jnp.pad(idx1, pad)
    idx2p = jnp.pad(idx2, pad)
    out = _run(word, idx1p, idx2p, position, gamma, beta)
    return out.reshape(BATCH, SEQ, EMB)

# --- scband reference (transcript-rebuilt; emitter-appended) ---
"""Pipeline reference for scband-bertembedding-81243601371874 (READ-ONLY COPY).

The authoritative reference and input builder live on the scoring server;
editing this copy changes nothing except your own understanding.
"""

import jax, jax.numpy as jnp
import numpy as np

VOCAB = 1000000 + 999 + 1  # main_vocab_size + unknown_size + 1
SEQ = 200
EMB = 64
BATCH = 4096
EPS = 1e-12


def setup_inputs(seed: int = 0) -> dict:
    key = jax.random.key(seed)
    k1, k2, k3 = jax.random.split(key, 3)
    _input = jax.random.randint(k1, (BATCH, SEQ, 2), 0, VOCAB, dtype=jnp.int64)
    word = jax.random.normal(k2, (VOCAB, EMB), dtype=jnp.float32)
    position = jax.random.normal(k3, (SEQ, EMB), dtype=jnp.float32)
    gamma = jnp.ones((EMB,), dtype=jnp.float32)
    beta = jnp.zeros((EMB,), dtype=jnp.float32)
    return {"_input": _input, "word": word, "position": position, "gamma": gamma, "beta": beta}


def reference(_input, word, position, gamma, beta):
    vocab_size = word.shape[0]
    # positive_ind: map possibly-negative ids into [0, vocab_size)
    idx = (_input.astype(jnp.int64) + vocab_size) % vocab_size
    idx1 = idx[:, :, 0]
    idx2 = idx[:, :, 1]
    batch_size, seq_len = idx1.shape
    pos = jnp.arange(seq_len)
    # embedding lookups (gather)
    emb = jnp.take(word, idx1, axis=0) + jnp.take(word, idx2, axis=0) + jnp.take(position, pos, axis=0)[None, :, :]
    # LayerNorm over last dim
    mean = jnp.mean(emb, axis=-1, keepdims=True)
    var = jnp.mean((emb - mean) ** 2, axis=-1, keepdims=True)
    normed = (emb - mean) / jnp.sqrt(var + EPS)
    out = normed * gamma + beta
    # dropout is identity in eval mode
    return out

if __name__ == "__main__":
    import jax
    _d = setup_inputs()
    print(jax.jit(kernel)(*tuple(_d.values())))

</pallas_src>

<mosaic_0001>
#map = affine_map<(d0, d1) -> (0, 0)>
#map1 = affine_map<(d0, d1) -> (0)>
#map2 = affine_map<(d0, d1) -> (0, 0, 0)>
module attributes {stable_mosaic.version = 14 : i64} {
  func.func @_sc_body(%arg0: i32, %arg1: i32, %arg2: memref<1001000x64xf32, #tpu.memory_space<hbm>>, %arg3: memref<8192x104xi32, #tpu.memory_space<hbm>>, %arg4: memref<8192x104xi32, #tpu.memory_space<hbm>>, %arg5: memref<200x64xf32, #tpu.memory_space<hbm>>, %arg6: memref<64xf32, #tpu.memory_space<hbm>>, %arg7: memref<64xf32, #tpu.memory_space<hbm>>, %arg8: memref<8192x100x64xf32, #tpu.memory_space<hbm>>, %arg9: memref<104xi32, #tpu.memory_space<vmem>>, %arg10: memref<104xi32, #tpu.memory_space<vmem>>, %arg11: memref<104x64xf32, #tpu.memory_space<vmem>>, %arg12: memref<104x64xf32, #tpu.memory_space<vmem>>, %arg13: memref<100x64xf32, #tpu.memory_space<vmem>>, %arg14: memref<200x64xf32, #tpu.memory_space<vmem>>, %arg15: memref<64xf32, #tpu.memory_space<vmem>>, %arg16: memref<64xf32, #tpu.memory_space<vmem>>, %arg17: memref<!tpu.dma_semaphore, #tpu.memory_space<semaphore_mem>>) attributes {dimension_semantics = [#tpu.dimension_semantics<core_parallel>, #tpu.dimension_semantics<subcore_parallel>], iteration_bounds = array<i64: 2, 16>, scalar_prefetch = 0 : i64, scratch_operands = 9 : i64, tpu.core_type = #tpu.core_type<sc_vector_subcore>, window_params = [{transform_indices = #map}, {transform_indices = #map}, {transform_indices = #map}, {transform_indices = #map}, {transform_indices = #map1}, {transform_indices = #map1}, {transform_indices = #map2}]} {
    %mul3A = arith.constant 2 : i32
    %mul3A_0 = arith.muli %arg1, %mul3A : i32
    %add3A = arith.addi %mul3A_0, %arg0 : i32
    %mul3A_1 = arith.constant 256 : i32
    %mul3A_2 = arith.muli %add3A, %mul3A_1 : i32
    "tpu.region"() ({
      %run_scoped3A = tpu.sem_alloc : memref<!tpu.dma_semaphore, #tpu.memory_space<semaphore_mem>>
      tpu.enqueue_dma source(%arg5 : memref<200x64xf32, #tpu.memory_space<hbm>>) target(%arg14 : memref<200x64xf32, #tpu.memory_space<vmem>>) target_semaphore(%run_scoped3A : memref<!tpu.dma_semaphore, #tpu.memory_space<semaphore_mem>>)
      tpu.wait_dma2 semaphore(%run_scoped3A : memref<!tpu.dma_semaphore, #tpu.memory_space<semaphore_mem>>) src(%arg5 : memref<200x64xf32, #tpu.memory_space<hbm>>) dst(%arg14 : memref<200x64xf32, #tpu.memory_space<vmem>>)
      tpu.yield
    }) : () -> ()
    "tpu.region"() ({
      %run_scoped3A = tpu.sem_alloc : memref<!tpu.dma_semaphore, #tpu.memory_space<semaphore_mem>>
      tpu.enqueue_dma source(%arg6 : memref<64xf32, #tpu.memory_space<hbm>>) target(%arg15 : memref<64xf32, #tpu.memory_space<vmem>>) target_semaphore(%run_scoped3A : memref<!tpu.dma_semaphore, #tpu.memory_space<semaphore_mem>>)
      tpu.wait_dma2 semaphore(%run_scoped3A : memref<!tpu.dma_semaphore, #tpu.memory_space<semaphore_mem>>) src(%arg6 : memref<64xf32, #tpu.memory_space<hbm>>) dst(%arg15 : memref<64xf32, #tpu.memory_space<vmem>>)
      tpu.yield
    }) : () -> ()
    "tpu.region"() ({
      %run_scoped3A = tpu.sem_alloc : memref<!tpu.dma_semaphore, #tpu.memory_space<semaphore_mem>>
      tpu.enqueue_dma source(%arg7 : memref<64xf32, #tpu.memory_space<hbm>>) target(%arg16 : memref<64xf32, #tpu.memory_space<vmem>>) target_semaphore(%run_scoped3A : memref<!tpu.dma_semaphore, #tpu.memory_space<semaphore_mem>>)
      tpu.wait_dma2 semaphore(%run_scoped3A : memref<!tpu.dma_semaphore, #tpu.memory_space<semaphore_mem>>) src(%arg7 : memref<64xf32, #tpu.memory_space<hbm>>) dst(%arg16 : memref<64xf32, #tpu.memory_space<vmem>>)
      tpu.yield
    }) : () -> ()
    %get3A = arith.constant 0 : index
    %get3A_3 = tpu.vector_load %arg15[%get3A] {strides = array<i32>} : memref<64xf32, #tpu.memory_space<vmem>>, vector<16xf32>,
    %get3A_4 = vector.shape_cast %get3A_3 : vector<16xf32> to vector<16xf32>
    %get3A_5 = arith.constant 16 : index
    %get3A_6 = tpu.vector_load %arg15[%get3A_5] {strides = array<i32>} : memref<64xf32, #tpu.memory_space<vmem>>, vector<16xf32>,
    %get3A_7 = vector.shape_cast %get3A_6 : vector<16xf32> to vector<16xf32>
    %get3A_8 = arith.constant 32 : index
    %get3A_9 = tpu.vector_load %arg15[%get3A_8] {strides = array<i32>} : memref<64xf32, #tpu.memory_space<vmem>>, vector<16xf32>,
    %get3A_10 = vector.shape_cast %get3A_9 : vector<16xf32> to vector<16xf32>
    %get3A_11 = arith.constant 48 : index
    %get3A_12 = tpu.vector_load %arg15[%get3A_11] {strides = array<i32>} : memref<64xf32, #tpu.memory_space<vmem>>, vector<16xf32>,
    %get3A_13 = vector.shape_cast %get3A_12 : vector<16xf32> to vector<16xf32>
    %get3A_14 = arith.constant 0 : index
    %get3A_15 = tpu.vector_load %arg16[%get3A_14] {strides = array<i32>} : memref<64xf32, #tpu.memory_space<vmem>>, vector<16xf32>,
    %get3A_16 = vector.shape_cast %get3A_15 : vector<16xf32> to vector<16xf32>
    %get3A_17 = arith.constant 16 : index
    %get3A_18 = tpu.vector_load %arg16[%get3A_17] {strides = array<i32>} : memref<64xf32, #tpu.memory_space<vmem>>, vector<16xf32>,
    %get3A_19 = vector.shape_cast %get3A_18 : vector<16xf32> to vector<16xf32>
    %get3A_20 = arith.constant 32 : index
    %get3A_21 = tpu.vector_load %arg16[%get3A_20] {strides = array<i32>} : memref<64xf32, #tpu.memory_space<vmem>>, vector<16xf32>,
    %get3A_22 = vector.shape_cast %get3A_21 : vector<16xf32> to vector<16xf32>
    %get3A_23 = arith.constant 48 : index
    %get3A_24 = tpu.vector_load %arg16[%get3A_23] {strides = array<i32>} : memref<64xf32, #tpu.memory_space<vmem>>, vector<16xf32>,
    %get3A_25 = vector.shape_cast %get3A_24 : vector<16xf32> to vector<16xf32>
    %scan3A = arith.constant 0 : i32
    %scan3A_26 = arith.constant 1.562500e-02 : f32
    %scan3A_27 = arith.constant 0 : i32
    %scan3A_28 = arith.constant 256 : i32
    %scan3A_29 = arith.addi %scan3A_27, %scan3A_28 : i32
    %scan3A_30 = arith.constant 1 : i32
    scf.for %scan3A_32 = %scan3A_27 to %scan3A_29 step %scan3A_30  : i32 {
      %add3A_33 = arith.addi %mul3A_2, %scan3A_32 : i32
      %jit3A = arith.constant 2 : i32
      %eq3A = arith.constant 0 : i32
      %eq3A_34 = arith.cmpi eq, %jit3A, %eq3A : i32
      %jit3A_35 = arith.constant 1 : i32
      %select_n3A = arith.select %eq3A_34, %jit3A_35, %jit3A : i32
      %rem3A = arith.remsi %add3A_33, %select_n3A : i32
      %ne3A = arith.constant 0 : i32
      %ne3A_36 = arith.cmpi ne, %rem3A, %ne3A : i32
      %lt3A = arith.constant 0 : i32
      %lt3A_37 = arith.cmpi slt, %rem3A, %lt3A : i32
      %lt3A_38 = arith.constant 0 : i32
      %lt3A_39 = arith.cmpi slt, %select_n3A, %lt3A_38 : i32
      %ne3A_40 = arith.xori %lt3A_37, %lt3A_39 : i1
      %and3A = arith.andi %ne3A_40, %ne3A_36 : i1
      %add3A_41 = arith.addi %rem3A, %select_n3A : i32
      %select_n3A_42 = arith.select %and3A, %add3A_41, %rem3A : i32
      %mul3A_43 = arith.constant 100 : i32
      %mul3A_44 = arith.muli %select_n3A_42, %mul3A_43 : i32
      "tpu.region"() ({
        %run_scoped3A = tpu.sem_alloc : memref<!tpu.dma_semaphore, #tpu.memory_space<semaphore_mem>>
        %dma_start3A_61 = arith.constant 0 : i32
        %dma_start3A_62 = tpu.memref_slice %arg3[%add3A_33, %dma_start3A_61] : memref<8192x104xi32, #tpu.memory_space<hbm>> -> memref<1x104xi32, #tpu.memory_space<hbm>>
        %dma_start3A_63 = tpu.memref_squeeze %dma_start3A_62 : memref<1x104xi32, #tpu.memory_space<hbm>> -> memref<104xi32, #tpu.memory_space<hbm>>
        %dma_start3A_64 = arith.constant 0 : i32
        %dma_start3A_65 = tpu.memref_slice %arg3[%add3A_33, %dma_start3A_64] : memref<8192x104xi32, #tpu.memory_space<hbm>> -> memref<1x104xi32, #tpu.memory_space<hbm>>
        %dma_start3A_66 = tpu.memref_squeeze %dma_start3A_65 : memref<1x104xi32, #tpu.memory_space<hbm>> -> memref<104xi32, #tpu.memory_space<hbm>>
        tpu.enqueue_dma source(%dma_start3A_66 : memref<104xi32, #tpu.memory_space<hbm>>) target(%arg9 : memref<104xi32, #tpu.memory_space<vmem>>) target_semaphore(%run_scoped3A : memref<!tpu.dma_semaphore, #tpu.memory_space<semaphore_mem>>)
        %dma_wait3A_67 = arith.constant 0 : i32
        %dma_wait3A_68 = tpu.memref_slice %arg3[%add3A_33, %dma_wait3A_67] : memref<8192x104xi32, #tpu.memory_space<hbm>> -> memref<1x104xi32, #tpu.memory_space<hbm>>
        %dma_wait3A_69 = tpu.memref_squeeze %dma_wait3A_68 : memref<1x104xi32, #tpu.memory_space<hbm>> -> memref<104xi32, #tpu.memory_space<hbm>>
        %dma_wait3A_70 = arith.constant 0 : i32
        %dma_wait3A_71 = tpu.memref_slice %arg3[%add3A_33, %dma_wait3A_70] : memref<8192x104xi32, #tpu.memory_space<hbm>> -> memref<1x104xi32, #tpu.memory_space<hbm>>
        %dma_wait3A_72 = tpu.memref_squeeze %dma_wait3A_71 : memref<1x104xi32, #tpu.memory_space<hbm>> -> memref<104xi32, #tpu.memory_space<hbm>>
        tpu.wait_dma2 semaphore(%run_scoped3A : memref<!tpu.dma_semaphore, #tpu.memory_space<semaphore_mem>>) src(%dma_wait3A_72 : memref<104xi32, #tpu.memory_space<hbm>>) dst(%arg9 : memref<104xi32, #tpu.memory_space<vmem>>)
        tpu.yield
      }) : () -> ()
      "tpu.region"() ({
        %run_scoped3A = tpu.sem_alloc : memref<!tpu.dma_semaphore, #tpu.memory_space<semaphore_mem>>
        %dma_start3A_61 = arith.constant 0 : i32
        %dma_start3A_62 = tpu.memref_slice %arg4[%add3A_33, %dma_start3A_61] : memref<8192x104xi32, #tpu.memory_space<hbm>> -> memref<1x104xi32, #tpu.memory_space<hbm>>
        %dma_start3A_63 = tpu.memref_squeeze %dma_start3A_62 : memref<1x104xi32, #tpu.memory_space<hbm>> -> memref<104xi32, #tpu.memory_space<hbm>>
        %dma_start3A_64 = arith.constant 0 : i32
        %dma_start3A_65 = tpu.memref_slice %arg4[%add3A_33, %dma_start3A_64] : memref<8192x104xi32, #tpu.memory_space<hbm>> -> memref<1x104xi32, #tpu.memory_space<hbm>>
        %dma_start3A_66 = tpu.memref_squeeze %dma_start3A_65 : memref<1x104xi32, #tpu.memory_space<hbm>> -> memref<104xi32, #tpu.memory_space<hbm>>
        tpu.enqueue_dma source(%dma_start3A_66 : memref<104xi32, #tpu.memory_space<hbm>>) target(%arg10 : memref<104xi32, #tpu.memory_space<vmem>>) target_semaphore(%run_scoped3A : memref<!tpu.dma_semaphore, #tpu.memory_space<semaphore_mem>>)
        %dma_wait3A_67 = arith.constant 0 : i32
        %dma_wait3A_68 = tpu.memref_slice %arg4[%add3A_33, %dma_wait3A_67] : memref<8192x104xi32, #tpu.memory_space<hbm>> -> memref<1x104xi32, #tpu.memory_space<hbm>>
        %dma_wait3A_69 = tpu.memref_squeeze %dma_wait3A_68 : memref<1x104xi32, #tpu.memory_space<hbm>> -> memref<104xi32, #tpu.memory_space<hbm>>
        %dma_wait3A_70 = arith.constant 0 : i32
        %dma_wait3A_71 = tpu.memref_slice %arg4[%add3A_33, %dma_wait3A_70] : memref<8192x104xi32, #tpu.memory_space<hbm>> -> memref<1x104xi32, #tpu.memory_space<hbm>>
        %dma_wait3A_72 = tpu.memref_squeeze %dma_wait3A_71 : memref<1x104xi32, #tpu.memory_space<hbm>> -> memref<104xi32, #tpu.memory_space<hbm>>
        tpu.wait_dma2 semaphore(%run_scoped3A : memref<!tpu.dma_semaphore, #tpu.memory_space<semaphore_mem>>) src(%dma_wait3A_72 : memref<104xi32, #tpu.memory_space<hbm>>) dst(%arg10 : memref<104xi32, #tpu.memory_space<vmem>>)
        tpu.yield
      }) : () -> ()
      %dma_start3A = arith.constant 0 : i32
      %dma_start3A_45 = arith.constant 0 : i32
      %dma_start3A_46 = tpu.memref_slice %arg2[%dma_start3A, %dma_start3A_45] : memref<1001000x64xf32, #tpu.memory_space<hbm>> -> memref<1001000x64xf32, #tpu.memory_space<hbm>>
      tpu.enqueue_indirect_dma source(%dma_start3A_46 : memref<1001000x64xf32, #tpu.memory_space<hbm>>) target(%arg11 : memref<104x64xf32, #tpu.memory_space<vmem>>) offsets(%arg9 : memref<104xi32, #tpu.memory_space<vmem>>) semaphore(%arg17 : memref<!tpu.dma_semaphore, #tpu.memory_space<semaphore_mem>>)
      %dma_start3A_47 = arith.constant 0 : i32
      %dma_start3A_48 = arith.constant 0 : i32
      %dma_start3A_49 = tpu.memref_slice %arg2[%dma_start3A_47, %dma_start3A_48] : memref<1001000x64xf32, #tpu.memory_space<hbm>> -> memref<1001000x64xf32, #tpu.memory_space<hbm>>
      tpu.enqueue_indirect_dma source(%dma_start3A_49 : memref<1001000x64xf32, #tpu.memory_space<hbm>>) target(%arg12 : memref<104x64xf32, #tpu.memory_space<vmem>>) offsets(%arg10 : memref<104xi32, #tpu.memory_space<vmem>>) semaphore(%arg17 : memref<!tpu.dma_semaphore, #tpu.memory_space<semaphore_mem>>)
      %dma_wait3A = arith.constant 0 : i32
      %dma_wait3A_50 = arith.constant 0 : i32
      %dma_wait3A_51 = tpu.memref_slice %arg2[%dma_wait3A, %dma_wait3A_50] : memref<1001000x64xf32, #tpu.memory_space<hbm>> -> memref<1001000x64xf32, #tpu.memory_space<hbm>>
      tpu.wait_indirect_dma semaphore(%arg17 : memref<!tpu.dma_semaphore, #tpu.memory_space<semaphore_mem>>) src(%dma_wait3A_51 : memref<1001000x64xf32, #tpu.memory_space<hbm>>) dst(%arg11 : memref<104x64xf32, #tpu.memory_space<vmem>>)
      %dma_wait3A_52 = arith.constant 0 : i32
      %dma_wait3A_53 = arith.constant 0 : i32
      %dma_wait3A_54 = tpu.memref_slice %arg2[%dma_wait3A_52, %dma_wait3A_53] : memref<1001000x64xf32, #tpu.memory_space<hbm>> -> memref<1001000x64xf32, #tpu.memory_space<hbm>>
      tpu.wait_indirect_dma semaphore(%arg17 : memref<!tpu.dma_semaphore, #tpu.memory_space<semaphore_mem>>) src(%dma_wait3A_54 : memref<1001000x64xf32, #tpu.memory_space<hbm>>) dst(%arg12 : memref<104x64xf32, #tpu.memory_space<vmem>>)
      %scan3A_55 = arith.constant 0 : i32
      %scan3A_56 = arith.constant 0 : i32
      %scan3A_57 = arith.constant 100 : i32
      %scan3A_58 = arith.addi %scan3A_56, %scan3A_57 : i32
      %scan3A_59 = arith.constant 1 : i32
      scf.for %scan3A_61 = %scan3A_56 to %scan3A_58 step %scan3A_59  : i32 {
        %get3A_62 = arith.index_cast %scan3A_61 : i32 to index
        %get3A_63 = arith.constant 0 : index
        %get3A_64 = tpu.vector_load %arg11[%get3A_62, %get3A_63] {strides = array<i32>} : memref<104x64xf32, #tpu.memory_space<vmem>>, vector<1x16xf32>,
        %get3A_65 = vector.shape_cast %get3A_64 : vector<1x16xf32> to vector<16xf32>
        %get3A_66 = arith.index_cast %scan3A_61 : i32 to index
        %get3A_67 = arith.constant 0 : index
        %get3A_68 = tpu.vector_load %arg12[%get3A_66, %get3A_67] {strides = array<i32>} : memref<104x64xf32, #tpu.memory_space<vmem>>, vector<1x16xf32>,
        %get3A_69 = vector.shape_cast %get3A_68 : vector<1x16xf32> to vector<16xf32>
        %add3A_70 = arith.addi %mul3A_44, %scan3A_61 : i32
        %get3A_71 = arith.index_cast %add3A_70 : i32 to index
        %get3A_72 = arith.constant 0 : index
        %get3A_73 = tpu.vector_load %arg14[%get3A_71, %get3A_72] {strides = array<i32>} : memref<200x64xf32, #tpu.memory_space<vmem>>, vector<1x16xf32>,
        %get3A_74 = vector.shape_cast %get3A_73 : vector<1x16xf32> to vector<16xf32>
        %add3A_75 = arith.addf %get3A_65, %get3A_69 : vector<16xf32>
        %add3A_76 = arith.addf %add3A_75, %get3A_74 : vector<16xf32>
        %get3A_77 = arith.index_cast %scan3A_61 : i32 to index
        %get3A_78 = arith.constant 16 : index
        %get3A_79 = tpu.vector_load %arg11[%get3A_77, %get3A_78] {strides = array<i32>} : memref<104x64xf32, #tpu.memory_space<vmem>>, vector<1x16xf32>,
        %get3A_80 = vector.shape_cast %get3A_79 : vector<1x16xf32> to vector<16xf32>
        %get3A_81 = arith.index_cast %scan3A_61 : i32 to index
        %get3A_82 = arith.constant 16 : index
        %get3A_83 = tpu.vector_load %arg12[%get3A_81, %get3A_82] {strides = array<i32>} : memref<104x64xf32, #tpu.memory_space<vmem>>, vector<1x16xf32>,
        %get3A_84 = vector.shape_cast %get3A_83 : vector<1x16xf32> to vector<16xf32>
        %add3A_85 = arith.addi %mul3A_44, %scan3A_61 : i32
        %get3A_86 = arith.index_cast %add3A_85 : i32 to index
        %get3A_87 = arith.constant 16 : index
        %get3A_88 = tpu.vector_load %arg14[%get3A_86, %get3A_87] {strides = array<i32>} : memref<200x64xf32, #tpu.memory_space<vmem>>, vector<1x16xf32>,
        %get3A_89 = vector.shape_cast %get3A_88 : vector<1x16xf32> to vector<16xf32>
        %add3A_90 = arith.addf %get3A_80, %get3A_84 : vector<16xf32>
        %add3A_91 = arith.addf %add3A_90, %get3A_89 : vector<16xf32>
        %get3A_92 = arith.index_cast %scan3A_61 : i32 to index
        %get3A_93 = arith.constant 32 : index
        %get3A_94 = tpu.vector_load %arg11[%get3A_92, %get3A_93] {strides = array<i32>} : memref<104x64xf32, #tpu.memory_space<vmem>>, vector<1x16xf32>,
        %get3A_95 = vector.shape_cast %get3A_94 : vector<1x16xf32> to vector<16xf32>
        %get3A_96 = arith.index_cast %scan3A_61 : i32 to index
        %get3A_97 = arith.constant 32 : index
        %get3A_98 = tpu.vector_load %arg12[%get3A_96, %get3A_97] {strides = array<i32>} : memref<104x64xf32, #tpu.memory_space<vmem>>, vector<1x16xf32>,
        %get3A_99 = vector.shape_cast %get3A_98 : vector<1x16xf32> to vector<16xf32>
        %add3A_100 = arith.addi %mul3A_44, %scan3A_61 : i32
        %get3A_101 = arith.index_cast %add3A_100 : i32 to index
        %get3A_102 = arith.constant 32 : index
        %get3A_103 = tpu.vector_load %arg14[%get3A_101, %get3A_102] {strides = array<i32>} : memref<200x64xf32, #tpu.memory_space<vmem>>, vector<1x16xf32>,
        %get3A_104 = vector.shape_cast %get3A_103 : vector<1x16xf32> to vector<16xf32>
        %add3A_105 = arith.addf %get3A_95, %get3A_99 : vector<16xf32>
        %add3A_106 = arith.addf %add3A_105, %get3A_104 : vector<16xf32>
        %get3A_107 = arith.index_cast %scan3A_61 : i32 to index
        %get3A_108 = arith.constant 48 : index
        %get3A_109 = tpu.vector_load %arg11[%get3A_107, %get3A_108] {strides = array<i32>} : memref<104x64xf32, #tpu.memory_space<vmem>>, vector<1x16xf32>,
        %get3A_110 = vector.shape_cast %get3A_109 : vector<1x16xf32> to vector<16xf32>
        %get3A_111 = arith.index_cast %scan3A_61 : i32 to index
        %get3A_112 = arith.constant 48 : index
        %get3A_113 = tpu.vector_load %arg12[%get3A_111, %get3A_112] {strides = array<i32>} : memref<104x64xf32, #tpu.memory_space<vmem>>, vector<1x16xf32>,
        %get3A_114 = vector.shape_cast %get3A_113 : vector<1x16xf32> to vector<16xf32>
        %add3A_115 = arith.addi %mul3A_44, %scan3A_61 : i32
        %get3A_116 = arith.index_cast %add3A_115 : i32 to index
        %get3A_117 = arith.constant 48 : index
        %get3A_118 = tpu.vector_load %arg14[%get3A_116, %get3A_117] {strides = array<i32>} : memref<200x64xf32, #tpu.memory_space<vmem>>, vector<1x16xf32>,
        %get3A_119 = vector.shape_cast %get3A_118 : vector<1x16xf32> to vector<16xf32>
        %add3A_120 = arith.addf %get3A_110, %get3A_114 : vector<16xf32>
        %add3A_121 = arith.addf %add3A_120, %get3A_119 : vector<16xf32>
        %add3A_122 = arith.addf %add3A_76, %add3A_91 : vector<16xf32>
        %add3A_123 = arith.addf %add3A_106, %add3A_121 : vector<16xf32>
        %add3A_124 = arith.addf %add3A_122, %add3A_123 : vector<16xf32>
        %iota3A = tpu.iota {dimensions = array<i32: 0>} : vector<16xi32>
        %xor3A = arith.constant 1 : i32
        %xor3A_125 = vector.broadcast %xor3A : i32 to vector<16xi32>
        %xor3A_126 = arith.xori %iota3A, %xor3A_125 : vector<16xi32>
        %lt3A_127 = arith.constant 0 : i32
        %lt3A_128 = vector.broadcast %lt3A_127 : i32 to vector<16xi32>
        %lt3A_129 = arith.cmpi slt, %xor3A_126, %lt3A_128 : vector<16xi32>
        %add3A_130 = arith.constant 16 : i32
        %add3A_131 = vector.broadcast %add3A_130 : i32 to vector<16xi32>
        %add3A_132 = arith.addi %xor3A_126, %add3A_131 : vector<16xi32>
        %select_n3A_133 = arith.select %lt3A_129, %add3A_132, %xor3A_126 : vector<16xi1>, vector<16xi32>
        %broadcast_in_dim3A = vector.shape_cast %select_n3A_133 : vector<16xi32> to vector<16x1xi32>
        %gather3A = vector.shape_cast %broadcast_in_dim3A : vector<16x1xi32> to vector<16xi32>
        %gather3A_134 = tpu.dynamic_gather %add3A_124[%gather3A] in [0] : vector<16xf32>, vector<16xi32> -> vector<16xf32>
        %add3A_135 = arith.addf %add3A_124, %gather3A_134 : vector<16xf32>
        %xor3A_136 = arith.constant 2 : i32
        %xor3A_137 = vector.broadcast %xor3A_136 : i32 to vector<16xi32>
        %xor3A_138 = arith.xori %iota3A, %xor3A_137 : vector<16xi32>
        %lt3A_139 = arith.constant 0 : i32
        %lt3A_140 = vector.broadcast %lt3A_139 : i32 to vector<16xi32>
        %lt3A_141 = arith.cmpi slt, %xor3A_138, %lt3A_140 : vector<16xi32>
        %add3A_142 = arith.constant 16 : i32
        %add3A_143 = vector.broadcast %add3A_142 : i32 to vector<16xi32>
        %add3A_144 = arith.addi %xor3A_138, %add3A_143 : vector<16xi32>
        %select_n3A_145 = arith.select %lt3A_141, %add3A_144, %xor3A_138 : vector<16xi1>, vector<16xi32>
        %broadcast_in_dim3A_146 = vector.shape_cast %select_n3A_145 : vector<16xi32> to vector<16x1xi32>
        %gather3A_147 = vector.shape_cast %broadcast_in_dim3A_146 : vector<16x1xi32> to vector<16xi32>
        %gather3A_148 = tpu.dynamic_gather %add3A_135[%gather3A_147] in [0] : vector<16xf32>, vector<16xi32> -> vector<16xf32>
        %add3A_149 = arith.addf %add3A_135, %gather3A_148 : vector<16xf32>
        %xor3A_150 = arith.constant 4 : i32
        %xor3A_151 = vector.broadcast %xor3A_150 : i32 to vector<16xi32>
        %xor3A_152 = arith.xori %iota3A, %xor3A_151 : vector<16xi32>
        %lt3A_153 = arith.constant 0 : i32
        %lt3A_154 = vector.broadcast %lt3A_153 : i32 to vector<16xi32>
        %lt3A_155 = arith.cmpi slt, %xor3A_152, %lt3A_154 : vector<16xi32>
        %add3A_156 = arith.constant 16 : i32
        %add3A_157 = vector.broadcast %add3A_156 : i32 to vector<16xi32>
        %add3A_158 = arith.addi %xor3A_152, %add3A_157 : vector<16xi32>
        %select_n3A_159 = arith.select %lt3A_155, %add3A_158, %xor3A_152 : vector<16xi1>, vector<16xi32>
        %broadcast_in_dim3A_160 = vector.shape_cast %select_n3A_159 : vector<16xi32> to vector<16x1xi32>
        %gather3A_161 = vector.shape_cast %broadcast_in_dim3A_160 : vector<16x1xi32> to vector<16xi32>
        %gather3A_162 = tpu.dynamic_gather %add3A_149[%gather3A_161] in [0] : vector<16xf32>, vector<16xi32> -> vector<16xf32>
        %add3A_163 = arith.addf %add3A_149, %gather3A_162 : vector<16xf32>
        %xor3A_164 = arith.constant 8 : i32
        %xor3A_165 = vector.broadcast %xor3A_164 : i32 to vector<16xi32>
        %xor3A_166 = arith.xori %iota3A, %xor3A_165 : vector<16xi32>
        %lt3A_167 = arith.constant 0 : i32
        %lt3A_168 = vector.broadcast %lt3A_167 : i32 to vector<16xi32>
        %lt3A_169 = arith.cmpi slt, %xor3A_166, %lt3A_168 : vector<16xi32>
        %add3A_170 = arith.constant 16 : i32
        %add3A_171 = vector.broadcast %add3A_170 : i32 to vector<16xi32>
        %add3A_172 = arith.addi %xor3A_166, %add3A_171 : vector<16xi32>
        %select_n3A_173 = arith.select %lt3A_169, %add3A_172, %xor3A_166 : vector<16xi1>, vector<16xi32>
        %broadcast_in_dim3A_174 = vector.shape_cast %select_n3A_173 : vector<16xi32> to vector<16x1xi32>
        %gather3A_175 = vector.shape_cast %broadcast_in_dim3A_174 : vector<16x1xi32> to vector<16xi32>
        %gather3A_176 = tpu.dynamic_gather %add3A_163[%gather3A_175] in [0] : vector<16xf32>, vector<16xi32> -> vector<16xf32>
        %add3A_177 = arith.addf %add3A_163, %gather3A_176 : vector<16xf32>
        %mul3A_178 = vector.broadcast %scan3A_26 : f32 to vector<16xf32>
        %mul3A_179 = arith.mulf %add3A_177, %mul3A_178 : vector<16xf32>
        %sub3A = arith.subf %add3A_76, %mul3A_179 : vector<16xf32>
        %sub3A_180 = arith.subf %add3A_91, %mul3A_179 : vector<16xf32>
        %sub3A_181 = arith.subf %add3A_106, %mul3A_179 : vector<16xf32>
        %sub3A_182 = arith.subf %add3A_121, %mul3A_179 : vector<16xf32>
        %mul3A_183 = arith.mulf %sub3A, %sub3A : vector<16xf32>
        %mul3A_184 = arith.mulf %sub3A_180, %sub3A_180 : vector<16xf32>
        %add3A_185 = arith.addf %mul3A_183, %mul3A_184 : vector<16xf32>
        %mul3A_186 = arith.mulf %sub3A_181, %sub3A_181 : vector<16xf32>
        %mul3A_187 = arith.mulf %sub3A_182, %sub3A_182 : vector<16xf32>
        %add3A_188 = arith.addf %mul3A_186, %mul3A_187 : vector<16xf32>
        %add3A_189 = arith.addf %add3A_185, %add3A_188 : vector<16xf32>
        %iota3A_190 = tpu.iota {dimensions = array<i32: 0>} : vector<16xi32>
        %xor3A_191 = arith.constant 1 : i32
        %xor3A_192 = vector.broadcast %xor3A_191 : i32 to vector<16xi32>
        %xor3A_193 = arith.xori %iota3A_190, %xor3A_192 : vector<16xi32>
        %lt3A_194 = arith.constant 0 : i32
        %lt3A_195 = vector.broadcast %lt3A_194 : i32 to vector<16xi32>
        %lt3A_196 = arith.cmpi slt, %xor3A_193, %lt3A_195 : vector<16xi32>
        %add3A_197 = arith.constant 16 : i32
        %add3A_198 = vector.broadcast %add3A_197 : i32 to vector<16xi32>
        %add3A_199 = arith.addi %xor3A_193, %add3A_198 : vector<16xi32>
        %select_n3A_200 = arith.select %lt3A_196, %add3A_199, %xor3A_193 : vector<16xi1>, vector<16xi32>
        %broadcast_in_dim3A_201 = vector.shape_cast %select_n3A_200 : vector<16xi32> to vector<16x1xi32>
        %gather3A_202 = vector.shape_cast %broadcast_in_dim3A_201 : vector<16x1xi32> to vector<16xi32>
        %gather3A_203 = tpu.dynamic_gather %add3A_189[%gather3A_202] in [0] : vector<16xf32>, vector<16xi32> -> vector<16xf32>
        %add3A_204 = arith.addf %add3A_189, %gather3A_203 : vector<16xf32>
        %xor3A_205 = arith.constant 2 : i32
        %xor3A_206 = vector.broadcast %xor3A_205 : i32 to vector<16xi32>
        %xor3A_207 = arith.xori %iota3A_190, %xor3A_206 : vector<16xi32>
        %lt3A_208 = arith.constant 0 : i32
        %lt3A_209 = vector.broadcast %lt3A_208 : i32 to vector<16xi32>
        %lt3A_210 = arith.cmpi slt, %xor3A_207, %lt3A_209 : vector<16xi32>
        %add3A_211 = arith.constant 16 : i32
        %add3A_212 = vector.broadcast %add3A_211 : i32 to vector<16xi32>
        %add3A_213 = arith.addi %xor3A_207, %add3A_212 : vector<16xi32>
        %select_n3A_214 = arith.select %lt3A_210, %add3A_213, %xor3A_207 : vector<16xi1>, vector<16xi32>
        %broadcast_in_dim3A_215 = vector.shape_cast %select_n3A_214 : vector<16xi32> to vector<16x1xi32>
        %gather3A_216 = vector.shape_cast %broadcast_in_dim3A_215 : vector<16x1xi32> to vector<16xi32>
        %gather3A_217 = tpu.dynamic_gather %add3A_204[%gather3A_216] in [0] : vector<16xf32>, vector<16xi32> -> vector<16xf32>
        %add3A_218 = arith.addf %add3A_204, %gather3A_217 : vector<16xf32>
        %xor3A_219 = arith.constant 4 : i32
        %xor3A_220 = vector.broadcast %xor3A_219 : i32 to vector<16xi32>
        %xor3A_221 = arith.xori %iota3A_190, %xor3A_220 : vector<16xi32>
        %lt3A_222 = arith.constant 0 : i32
        %lt3A_223 = vector.broadcast %lt3A_222 : i32 to vector<16xi32>
        %lt3A_224 = arith.cmpi slt, %xor3A_221, %lt3A_223 : vector<16xi32>
        %add3A_225 = arith.constant 16 : i32
        %add3A_226 = vector.broadcast %add3A_225 : i32 to vector<16xi32>
        %add3A_227 = arith.addi %xor3A_221, %add3A_226 : vector<16xi32>
        %select_n3A_228 = arith.select %lt3A_224, %add3A_227, %xor3A_221 : vector<16xi1>, vector<16xi32>
        %broadcast_in_dim3A_229 = vector.shape_cast %select_n3A_228 : vector<16xi32> to vector<16x1xi32>
        %gather3A_230 = vector.shape_cast %broadcast_in_dim3A_229 : vector<16x1xi32> to vector<16xi32>
        %gather3A_231 = tpu.dynamic_gather %add3A_218[%gather3A_230] in [0] : vector<16xf32>, vector<16xi32> -> vector<16xf32>
        %add3A_232 = arith.addf %add3A_218, %gather3A_231 : vector<16xf32>
        %xor3A_233 = arith.constant 8 : i32
        %xor3A_234 = vector.broadcast %xor3A_233 : i32 to vector<16xi32>
        %xor3A_235 = arith.xori %iota3A_190, %xor3A_234 : vector<16xi32>
        %lt3A_236 = arith.constant 0 : i32
        %lt3A_237 = vector.broadcast %lt3A_236 : i32 to vector<16xi32>
        %lt3A_238 = arith.cmpi slt, %xor3A_235, %lt3A_237 : vector<16xi32>
        %add3A_239 = arith.constant 16 : i32
        %add3A_240 = vector.broadcast %add3A_239 : i32 to vector<16xi32>
        %add3A_241 = arith.addi %xor3A_235, %add3A_240 : vector<16xi32>
        %select_n3A_242 = arith.select %lt3A_238, %add3A_241, %xor3A_235 : vector<16xi1>, vector<16xi32>
        %broadcast_in_dim3A_243 = vector.shape_cast %select_n3A_242 : vector<16xi32> to vector<16x1xi32>
        %gather3A_244 = vector.shape_cast %broadcast_in_dim3A_243 : vector<16x1xi32> to vector<16xi32>
        %gather3A_245 = tpu.dynamic_gather %add3A_232[%gather3A_244] in [0] : vector<16xf32>, vector<16xi32> -> vector<16xf32>
        %add3A_246 = arith.addf %add3A_232, %gather3A_245 : vector<16xf32>
        %mul3A_247 = vector.broadcast %scan3A_26 : f32 to vector<16xf32>
        %mul3A_248 = arith.mulf %add3A_246, %mul3A_247 : vector<16xf32>
        %add3A_249 = arith.constant 9.99999996E-13 : f32
        %add3A_250 = vector.broadcast %add3A_249 : f32 to vector<16xf32>
        %add3A_251 = arith.addf %mul3A_248, %add3A_250 : vector<16xf32>
        %bitcast_convert_type3A = tpu.bitcast %add3A_251 : vector<16xf32> -> vector<16xi32>
        %shift_right_arithmetic3A = arith.constant 1 : i32
        %shift_right_arithmetic3A_252 = vector.broadcast %shift_right_arithmetic3A : i32 to vector<16xi32>
        %shift_right_arithmetic3A_253 = arith.shrsi %bitcast_convert_type3A, %shift_right_arithmetic3A_252 : vector<16xi32>
        %sub3A_254 = arith.constant 1597463007 : i32
        %sub3A_255 = vector.broadcast %sub3A_254 : i32 to vector<16xi32>
        %sub3A_256 = arith.subi %sub3A_255, %shift_right_arithmetic3A_253 : vector<16xi32>
        %bitcast_convert_type3A_257 = tpu.bitcast %sub3A_256 : vector<16xi32> -> vector<16xf32>
        %mul3A_258 = arith.constant 5.000000e-01 : f32
        %mul3A_259 = vector.broadcast %mul3A_258 : f32 to vector<16xf32>
        %mul3A_260 = arith.mulf %mul3A_259, %add3A_251 : vector<16xf32>
        %mul3A_261 = arith.mulf %mul3A_260, %bitcast_convert_type3A_257 : vector<16xf32>
        %mul3A_262 = arith.mulf %mul3A_261, %bitcast_convert_type3A_257 : vector<16xf32>
        %sub3A_263 = arith.constant 1.500000e+00 : f32
        %sub3A_264 = vector.broadcast %sub3A_263 : f32 to vector<16xf32>
        %sub3A_265 = arith.subf %sub3A_264, %mul3A_262 : vector<16xf32>
        %mul3A_266 = arith.mulf %bitcast_convert_type3A_257, %sub3A_265 : vector<16xf32>
        %mul3A_267 = arith.constant 5.000000e-01 : f32
        %mul3A_268 = vector.broadcast %mul3A_267 : f32 to vector<16xf32>
        %mul3A_269 = arith.mulf %mul3A_268, %add3A_251 : vector<16xf32>
        %mul3A_270 = arith.mulf %mul3A_269, %mul3A_266 : vector<16xf32>
        %mul3A_271 = arith.mulf %mul3A_270, %mul3A_266 : vector<16xf32>
        %sub3A_272 = arith.constant 1.500000e+00 : f32
        %sub3A_273 = vector.broadcast %sub3A_272 : f32 to vector<16xf32>
        %sub3A_274 = arith.subf %sub3A_273, %mul3A_271 : vector<16xf32>
        %mul3A_275 = arith.mulf %mul3A_266, %sub3A_274 : vector<16xf32>
        %mul3A_276 = arith.constant 5.000000e-01 : f32
        %mul3A_277 = vector.broadcast %mul3A_276 : f32 to vector<16xf32>
        %mul3A_278 = arith.mulf %mul3A_277, %add3A_251 : vector<16xf32>
        %mul3A_279 = arith.mulf %mul3A_278, %mul3A_275 : vector<16xf32>
        %mul3A_280 = arith.mulf %mul3A_279, %mul3A_275 : vector<16xf32>
        %sub3A_281 = arith.constant 1.500000e+00 : f32
        %sub3A_282 = vector.broadcast %sub3A_281 : f32 to vector<16xf32>
        %sub3A_283 = arith.subf %sub3A_282, %mul3A_280 : vector<16xf32>
        %mul3A_284 = arith.mulf %mul3A_275, %sub3A_283 : vector<16xf32>
        %mul3A_285 = arith.mulf %sub3A, %mul3A_284 : vector<16xf32>
        %mul3A_286 = arith.mulf %mul3A_285, %get3A_4 : vector<16xf32>
        %add3A_287 = arith.addf %mul3A_286, %get3A_16 : vector<16xf32>
        %swap3A = arith.index_cast %scan3A_61 : i32 to index
        %swap3A_288 = arith.constant 0 : index
        %swap3A_289 = tpu.vector_load %arg13[%swap3A, %swap3A_288] {strides = array<i32>} : memref<100x64xf32, #tpu.memory_space<vmem>>, vector<1x16xf32>,
        %swap3A_290 = vector.shape_cast %swap3A_289 : vector<1x16xf32> to vector<16xf32>
        %swap3A_291 = vector.shape_cast %add3A_287 : vector<16xf32> to vector<1x16xf32>
        tpu.vector_store %arg13[%swap3A, %swap3A_288], %swap3A_291 {strides = array<i32>} : memref<100x64xf32, #tpu.memory_space<vmem>>, vector<1x16xf32>,
        %mul3A_292 = arith.mulf %sub3A_180, %mul3A_284 : vector<16xf32>
        %mul3A_293 = arith.mulf %mul3A_292, %get3A_7 : vector<16xf32>
        %add3A_294 = arith.addf %mul3A_293, %get3A_19 : vector<16xf32>
        %swap3A_295 = arith.index_cast %scan3A_61 : i32 to index
        %swap3A_296 = arith.constant 16 : index
        %swap3A_297 = tpu.vector_load %arg13[%swap3A_295, %swap3A_296] {strides = array<i32>} : memref<100x64xf32, #tpu.memory_space<vmem>>, vector<1x16xf32>,
        %swap3A_298 = vector.shape_cast %swap3A_297 : vector<1x16xf32> to vector<16xf32>
        %swap3A_299 = vector.shape_cast %add3A_294 : vector<16xf32> to vector<1x16xf32>
        tpu.vector_store %arg13[%swap3A_295, %swap3A_296], %swap3A_299 {strides = array<i32>} : memref<100x64xf32, #tpu.memory_space<vmem>>, vector<1x16xf32>,
        %mul3A_300 = arith.mulf %sub3A_181, %mul3A_284 : vector<16xf32>
        %mul3A_301 = arith.mulf %mul3A_300, %get3A_10 : vector<16xf32>
        %add3A_302 = arith.addf %mul3A_301, %get3A_22 : vector<16xf32>
        %swap3A_303 = arith.index_cast %scan3A_61 : i32 to index
        %swap3A_304 = arith.constant 32 : index
        %swap3A_305 = tpu.vector_load %arg13[%swap3A_303, %swap3A_304] {strides = array<i32>} : memref<100x64xf32, #tpu.memory_space<vmem>>, vector<1x16xf32>,
        %swap3A_306 = vector.shape_cast %swap3A_305 : vector<1x16xf32> to vector<16xf32>
        %swap3A_307 = vector.shape_cast %add3A_302 : vector<16xf32> to vector<1x16xf32>
        tpu.vector_store %arg13[%swap3A_303, %swap3A_304], %swap3A_307 {strides = array<i32>} : memref<100x64xf32, #tpu.memory_space<vmem>>, vector<1x16xf32>,
        %mul3A_308 = arith.mulf %sub3A_182, %mul3A_284 : vector<16xf32>
        %mul3A_309 = arith.mulf %mul3A_308, %get3A_13 : vector<16xf32>
        %add3A_310 = arith.addf %mul3A_309, %get3A_25 : vector<16xf32>
        %swap3A_311 = arith.index_cast %scan3A_61 : i32 to index
        %swap3A_312 = arith.constant 48 : index
        %swap3A_313 = tpu.vector_load %arg13[%swap3A_311, %swap3A_312] {strides = array<i32>} : memref<100x64xf32, #tpu.memory_space<vmem>>, vector<1x16xf32>,
        %swap3A_314 = vector.shape_cast %swap3A_313 : vector<1x16xf32> to vector<16xf32>
        %swap3A_315 = vector.shape_cast %add3A_310 : vector<16xf32> to vector<1x16xf32>
        tpu.vector_store %arg13[%swap3A_311, %swap3A_312], %swap3A_315 {strides = array<i32>} : memref<100x64xf32, #tpu.memory_space<vmem>>, vector<1x16xf32>,
      }
      %scan3A_60 = arith.constant 100 : i32
      "tpu.region"() ({
        %run_scoped3A = tpu.sem_alloc : memref<!tpu.dma_semaphore, #tpu.memory_space<semaphore_mem>>
        %dma_start3A_61 = arith.constant 0 : i32
        %dma_start3A_62 = arith.constant 0 : i32
        %dma_start3A_63 = tpu.memref_slice %arg8[%add3A_33, %dma_start3A_61, %dma_start3A_62] : memref<8192x100x64xf32, #tpu.memory_space<hbm>> -> memref<1x100x64xf32, #tpu.memory_space<hbm>>
        %dma_start3A_64 = tpu.memref_squeeze %dma_start3A_63 : memref<1x100x64xf32, #tpu.memory_space<hbm>> -> memref<100x64xf32, #tpu.memory_space<hbm>>
        %dma_start3A_65 = arith.constant 0 : i32
        %dma_start3A_66 = arith.constant 0 : i32
        %dma_start3A_67 = tpu.memref_slice %arg8[%add3A_33, %dma_start3A_65, %dma_start3A_66] : memref<8192x100x64xf32, #tpu.memory_space<hbm>> -> memref<1x100x64xf32, #tpu.memory_space<hbm>>
        %dma_start3A_68 = tpu.memref_squeeze %dma_start3A_67 : memref<1x100x64xf32, #tpu.memory_space<hbm>> -> memref<100x64xf32, #tpu.memory_space<hbm>>
        tpu.enqueue_dma source(%arg13 : memref<100x64xf32, #tpu.memory_space<vmem>>) target(%dma_start3A_68 : memref<100x64xf32, #tpu.memory_space<hbm>>) target_semaphore(%run_scoped3A : memref<!tpu.dma_semaphore, #tpu.memory_space<semaphore_mem>>)
        %dma_wait3A_69 = arith.constant 0 : i32
        %dma_wait3A_70 = arith.constant 0 : i32
        %dma_wait3A_71 = tpu.memref_slice %arg8[%add3A_33, %dma_wait3A_69, %dma_wait3A_70] : memref<8192x100x64xf32, #tpu.memory_space<hbm>> -> memref<1x100x64xf32, #tpu.memory_space<hbm>>
        %dma_wait3A_72 = tpu.memref_squeeze %dma_wait3A_71 : memref<1x100x64xf32, #tpu.memory_space<hbm>> -> memref<100x64xf32, #tpu.memory_space<hbm>>
        %dma_wait3A_73 = arith.constant 0 : i32
        %dma_wait3A_74 = arith.constant 0 : i32
        %dma_wait3A_75 = tpu.memref_slice %arg8[%add3A_33, %dma_wait3A_73, %dma_wait3A_74] : memref<8192x100x64xf32, #tpu.memory_space<hbm>> -> memref<1x100x64xf32, #tpu.memory_space<hbm>>
        %dma_wait3A_76 = tpu.memref_squeeze %dma_wait3A_75 : memref<1x100x64xf32, #tpu.memory_space<hbm>> -> memref<100x64xf32, #tpu.memory_space<hbm>>
        tpu.wait_dma2 semaphore(%run_scoped3A : memref<!tpu.dma_semaphore, #tpu.memory_space<semaphore_mem>>) src(%arg13 : memref<100x64xf32, #tpu.memory_space<vmem>>) dst(%dma_wait3A_76 : memref<100x64xf32, #tpu.memory_space<hbm>>)
        tpu.yield
      }) : () -> ()
    }
    %scan3A_31 = arith.constant 256 : i32
    return
  }
}

</mosaic_0001>

<sc_bundles>
// kernel: _run.3.cloned.1.call-start
scs
__scs_entry_jumppad:
0x0: {  	(pc) =	sbr.rel $0x88, $3  }
0x1: {  	(tag) =	ssettag $0x0;
	lr =	simm.s32 $0x1  }
0x2: {  	[smem:$0x3F9B] =	sst lr;
	_ =	strace $0xD0000000  }
0x3: {  	_ = 	snop  }
0x4: {  	_ = 	snop  }
0x5: {  	_ = 	snop  }
0x6: {  	_ = 	snop  }
0x7: {  	_ = 	snop  }
__scs_overlays_trampoline_lowered:
0x8: {  	[smem:$0x3FAA] =	sst s0  }
0x9: {  	[smem:$0x3FAB] =	sst s1  }
0xa: {  	[smem:$0x3FAC] =	sst s2  }
0xb: {  	[smem:$0x3FAD] =	sst s3  }
0xc: {  	[smem:$0x3FAE] =	sst s4  }
0xd: {  	[smem:$0x3FAF] =	sst s5  }
0xe: {  	[smem:$0x3FB0] =	sst s6  }
0xf: {  	[smem:$0x3FB1] =	sst s7  }
0x10: {  	[smem:$0x3FB2] =	sst s8  }
0x11: {  	[smem:$0x3FB3] =	sst s9;
	s0 =	simm.s32 @!p0 $0x0  }
0x12: {  	s1 =	sld [smem:$0x3F99];
	s0 =	simm.s32 @p0 $0x1  }
0x13: {  	[smem:$0x3FB4] =	sst s0;
	s0 =	simm.s32 @!p1 $0x0  }
0x14: {  	s2 =	sld [smem:$0x3F98];
	s0 =	simm.s32 @p1 $0x1  }
0x15: {  	[smem:$0x3FB5] =	sst s0;
	s0 =	simm.s32 @!p2 $0x0  }
0x16: {  	s3 =	sld [smem:$0x3FDB];
	s0 =	simm.s32 @p2 $0x1  }
0x17: {  	s4 =	simm.s32 $0x1BF5;
	[smem:$0x3FB7] =	sst s0  }
0x18: {  	s0 =	sld [smem:$0x3F9A];
	_ =	swait.ge [sflag:s4], $0x0  }
0x19: {  	s7 =	sld [smem:$0x3F9B]  }
0x1a: {  	s8 =	sadd.s32 $0xFFFFE003, lr  }
0x1b: {  	s9 =	sadd.s32 $0xFFFFFEF7, lr;
	s5 =	simm.s32 $0xFFFFFFFF;
	p2 =	slt.u32 s8, $0xFFFFF086  }
0x1c: {  	p1 =	slt.u32 s9, $0xF7A;
	s5 =	simm.s32 @!p2 $0x0  }
0x1d: {  	s5 =	simm.s32 @p1 $0x1;
	p0 =	seq.s32 s7, s2  }
0x1e: {  	s7 =	smul.u32 @!p0 $0xF7A, s2;
	p2 =	seq.s32 @!p0 s5, $0x0  }
0x1f: {  	s9 =	smul.u32 $0xF7A, s1;
	s8 =	simm.s32 @!p0 $0x1BF5;
	p2 =	por !p2, p0  }
0x20: {  	[sflag:s8] =	ssyncset.s32 @!p0 $0xFFFFF086;
	s6 =	sadd.s32 @!p0 s3, s7;
	s7 =	simm.s32 @!p0 $0x108  }
0x21: {  	s3 =	sadd.s32 s3, s9;
	s6 =	sadd.s32 @!p0 $0x88, s6;
	s7 =	simm.s32 @p2 $0x1082  }
0x22: {  	[simem:s7], [sflag:s8] =	dma.local @!p0 [hbm:s6], $0xF7A  }
0x23: {  	s9 =	sor.u32 $0xD0000000, s2;
	s6 =	simm.s32 $0x108;
	_ =	swait.ge @!p0 [sflag:s8], $0x0  }
0x24: {  	s3 =	sadd.s32 $0x88, s3;
	s6 =	simm.s32 @!p1 $0x1082;
	[sflag:s4] =	ssyncset.s32 $0xFFFFF086  }
0x25: {  	[simem:s6], [sflag:s4] =	dma.local [hbm:s3], $0xF7A  }
0x26: {  	[smem:$0x3F9B] =	sst s1;
	(tag) =	ssettag s2;
	_ =	strace s9  }
0x27: {  	s1 =	sld [smem:$0x3FAB]  }
0x28: {  	s2 =	sld [smem:$0x3FAC]  }
0x29: {  	s4 =	sld [smem:$0x3FAE]  }
0x2a: {  	p0 =	seq.s32 s5, $0x0;
	s5 =	sld [smem:$0x3FAF]  }
0x2b: {  	s6 =	sld [smem:$0x3FB0]  }
0x2c: {  	s7 =	sld [smem:$0x3FB1]  }
0x2d: {  	s3 =	simm.s32 $0x108;
	s8 =	sld [smem:$0x3FB2]  }
0x2e: {  	s3 =	simm.s32 @!p0 $0x1082;
	s9 =	sld [smem:$0x3FB3]  }
0x2f: {  	lr =	sadd.s32 s0, s3;
	s0 =	sld [smem:$0x3FAA]  }
0x30: {  	s3 =	sld [smem:$0x3FAD]  }
0x31: {  	[smem:$0x3FB6] =	sst s10  }
0x32: {  	s10 =	sld [smem:$0x3FB4];
	_ =	sdelay $0x3  }
0x33: {  	p0 =	seq.s32 s10, $0x1;
	s10 =	sld [smem:$0x3FB6];
	_ =	sdelay $0x3  }
0x34: {  	[smem:$0x3FB6] =	sst s10  }
0x35: {  	s10 =	sld [smem:$0x3FB5];
	_ =	sdelay $0x3  }
0x36: {  	p1 =	seq.s32 s10, $0x1;
	s10 =	sld [smem:$0x3FB6];
	_ =	sdelay $0x3  }
0x37: {  	[smem:$0x3FB6] =	sst s10  }
0x38: {  	s10 =	sld [smem:$0x3FB7]  }
0x39: {  	_ = 	snop;
	(pc) =	sbr.ind lr, $3  }
0x3a: {  	_ = 	snop  }
0x3b: {  	_ = 	snop  }
0x3c: {  	p2 =	seq.s32 s10, $0x1;
	s10 =	sld [smem:$0x3FB6]  }
0x3d: {  	_ =	shalt  }
0x3e: {  	_ =	shalt  }
0x3f: {  	_ =	shalt  }
0x40: {  	_ =	shalt  }
0x41: {  	_ =	shalt  }
0x42: {  	_ =	shalt  }
0x43: {  	_ =	shalt  }
0x44: {  	_ =	shalt  }
0x45: {  	_ =	shalt  }
0x46: {  	_ =	shalt  }
0x47: {  	_ =	shalt  }
0x48: {  	_ =	shalt  }
0x49: {  	_ =	shalt  }
0x4a: {  	_ =	shalt  }
0x4b: {  	_ =	shalt  }
0x4c: {  	_ =	shalt  }
0x4d: {  	_ =	shalt  }
0x4e: {  	_ =	shalt  }
0x4f: {  	_ =	shalt  }
0x50: {  	_ =	shalt  }
0x51: {  	_ =	shalt  }
0x52: {  	_ =	shalt  }
0x53: {  	_ =	shalt  }
0x54: {  	_ =	shalt  }
0x55: {  	_ =	shalt  }
0x56: {  	_ =	shalt  }
0x57: {  	_ =	shalt  }
0x58: {  	_ =	shalt  }
0x59: {  	_ =	shalt  }
0x5a: {  	_ =	shalt  }
0x5b: {  	_ =	shalt  }
0x5c: {  	_ =	shalt  }
0x5d: {  	_ =	shalt  }
0x5e: {  	_ =	shalt  }
0x5f: {  	_ =	shalt  }
0x60: {  	_ =	shalt  }
0x61: {  	_ =	shalt  }
0x62: {  	_ =	shalt  }
0x63: {  	_ =	shalt  }
0x64: {  	_ =	shalt  }
0x65: {  	_ =	shalt  }
0x66: {  	_ =	shalt  }
0x67: {  	_ =	shalt  }
0x68: {  	_ =	shalt  }
0x69: {  	_ =	shalt  }
0x6a: {  	_ =	shalt  }
0x6b: {  	_ =	shalt  }
0x6c: {  	_ =	shalt  }
0x6d: {  	_ =	shalt  }
0x6e: {  	_ =	shalt  }
0x6f: {  	_ =	shalt  }
0x70: {  	_ =	shalt  }
0x71: {  	_ =	shalt  }
0x72: {  	_ =	shalt  }
0x73: {  	_ =	shalt  }
0x74: {  	_ =	shalt  }
0x75: {  	_ =	shalt  }
0x76: {  	_ =	shalt  }
0x77: {  	_ =	shalt  }
0x78: {  	_ =	shalt  }
0x79: {  	_ =	shalt  }
0x7a: {  	_ =	shalt  }
0x7b: {  	_ =	shalt  }
0x7c: {  	_ =	shalt  }
0x7d: {  	_ =	shalt  }
0x7e: {  	_ =	shalt  }
0x7f: {  	_ =	shalt  }
0x80: {  	_ =	shalt  }
0x81: {  	_ =	shalt  }
0x82: {  	_ =	shalt  }
0x83: {  	_ =	shalt  }
0x84: {  	_ =	shalt  }
0x85: {  	_ =	shalt  }
0x86: {  	_ =	shalt  }
0x87: {  	_ =	shalt  }
.Lfunc_end0:
.L_simem_size_0:
called_computation.1_lowered:
.L_overlay_start_0:
0x88: {  	s2 =	sld [smem:$0x3FD9]  }
0x89: {  	s3 =	sld [smem:$0x3FFE];
	_ =	sdelay $0x1  }
0x8a: {  	s1 =	srdreg.scid  }
0x8b: {  	s0 =	sand.u32 $0x1, s1  }
0x8c: {  	s17 =	sshll.u32 s0, $0xA;
	s2 =	sadd.s32 s3, s2  }
0x8d: {  	s2 =	sadd.s32 s2, s17  }
0x8e: {  	[smem:$0x3FC2] =	sst s2  }
0x8f: {  	_ = 	snop  }
0x90: {  	s2 =	sld [smem:$0x3FC5]  }
0x91: {  	s18 =	sld [smem:$0x3FC4]  }
0x92: {  	s4 =	sld [smem:$0x3FD0];
	(tm) =	ssettm $0x1  }
0x93: {  	s5 =	sld [smem:$0x3FFB];
	_ =	sdelay $0x3  }
0x94: {  	_ =	strace s5  }
0x95: {  	s5 =	sld [smem:$0x3FFC];
	_ =	sdelay $0x3  }
0x96: {  	_ =	strace s5  }
0x97: {  	s5 =	sld [smem:$0x3FFD];
	_ =	sdelay $0x3  }
0x98: {  	_ =	strace s5  }
0x99: {  	_ =	strace $0x8FFFFFFF  }
0x9a: {  	s19 =	sld [smem:$0x3FDB];
	_ =	sdelay $0x1  }
0x9b: {  	s6 =	simm.s32 $_scs_section_size  }
0x9c: {  	s7 =	simm.s32 $_size__tile_overlayer_lowered;
	s8 =	simm.s32 $_tile_overlayer_lowered  }
0x9d: {  	s22 =	simm.s32 $0x1BFF;
	s21 =	sshll.u32 s8, $0x1;
	s5 =	sadd.s32 s6, s19  }
0x9e: {  	s9 =	simm.s32 $0x0;
	s20 =	sshll.u32 s7, $0x1;
	s7 =	sadd.s32 s21, s5  }
0x9f: {  	[timem:s9], [sflag:s22] =	dma.local [hbm:s7], s20  }
0xa0: {  	_ =	swait.ge [sflag:s22], s20  }
0xa1: {  	s6 =	ssub.s32 $0x0, s20;
	[sflag:s22] =	ssyncset.done $0x0  }
0xa2: {  	[sflag:s22] =	ssyncadd.s32 s6;
	_ =	sdelay $0x1  }
0xa3: {  	s23 =	simm.s32 $0x1B8B  }
0xa4: {  	_ =	swait.ge [sflag:s23], $0x1  }
0xa5: {  	[sflag:s23] =	ssyncset.done $0x0  }
0xa6: {  	s25 =	simm.s32 $0x1B8E;
	s24 =	sld [smem:$0x3FFE];
	[sflag:s23] =	ssyncadd.s32 $0xFFFFFFFF  }
0xa7: {  	s26 =	simm.s32 $execute0_lowered;
	[smem:$0x3FD2] =	sst s25  }
0xa8: {  	s7 =	sshll.u32 s26, $0x1;
	_ =	strace $0x80000046;
	[dreg:$0x1] =	wrdreg $0xFFFFFFFF  }
0xa9: {  	s28 =	simm.s32 $_size_execute0_lowered;
	s5 =	sadd.s32 s5, s7;
	[dreg:$0x0] =	wrdreg $0x0  }
0xaa: {  	s7 =	sshll.u32 s28, $0x1;
	[dreg:$0x2] =	wrdreg s5  }
0xab: {  	[dreg:$0x3] =	wrdreg s7  }
0xac: {  	[dreg:$0x4] =	wrdreg $0xC0  }
0xad: {  	_ =	task [dreg:s9], $0x5FFFF  }
0xae: {  	[dreg:$0x1] =	wrdreg $0xFFFFFFFF  }
0xaf: {  	[dreg:$0x0] =	wrdreg $0x60  }
0xb0: {  	[dreg:$0x2] =	wrdreg s24  }
0xb1: {  	[dreg:$0x3] =	wrdreg s2  }
0xb2: {  	[dreg:$0x4] =	wrdreg s18  }
0xb3: {  	[dreg:$0x5] =	wrdreg s4  }
0xb4: {  	[dreg:$0x6] =	wrdreg $0x9  }
0xb5: {  	_ =	task.clear_ibuf [dreg:s9], $0x7FFFF;
	_ =	strace $0x90000046  }
0xb6: {  	s29 =	simm.s32 $0x9;
	_ =	strace $0x80000048  }
0xb7: {  	_ =	swait.ge [sflag:s29], $0x1  }
0xb8: {  	[sflag:s29] =	ssyncadd.s32 $0xFFFFFFFF  }
0xb9: {  	_ =	strace $0x90000048  }
0xba: {  	_ =	sfence  }
0xbb: {  	s30 =	sld [smem:$0x0];
	_ =	sdelay $0x2  }
0xbc: {  	s31 =	sshll.u32 s1, $0xD;
	s1 =	sshrl.u32 s1, $0x2  }
0xbd: {  	s3 =	sand.u32 $0x4000, s31;
	s1 =	sadd.s32 s1, s30  }
0xbe: {  	s0 =	sor.u32 s3, s0;
	s1 =	sshll.u32 s1, $0x11  }
0xbf: {  	s0 =	sor.u32 s1, s0  }
0xc0: {  	s0 =	sadd.s32 $0x8F2B, s0  }
0xc1: {  	[sflag:s0] =	ssyncadd.remote.s32 $0x1  }
0xc2: {  	_ =	sfence.sel $0xFFFF  }
0xc3: {  	[dreg:$0x0] =	wrdreg $0xFFFFFFFF;
	(pc) =	sbr.abs _section_cstart, $3  }
0xc4: {  	[dreg:$0x1] =	wrdreg $0xFFFFFFFF  }
0xc5: {  	_ =	task.clear_ibuf [dreg:s9], $0x2FFFF;
	_ =	strace $0x9FFFFFFF  }
0xc6: {  	(tm) =	ssettm $0x7FFFFFFF  }
0xc7: {  	_ =	shalt  }
tec
execute0_lowered:
.L_overlay_start_1:
0x0: {  	(tag) =	ssettag $0x1  }
0x1: {  	s8 =	rddreg [dreg:$0x0]  }
0x2: {  	s0 =	rddreg [dreg:$0x1]  }
0x3: {  	s2 =	rddreg [dreg:$0x2];
	v0 =	vimm.s32 $0xEFCDAB89  }
0x4: {  	s3 =	rddreg [dreg:$0x3];
	v1 =	vimm.s32 $0x67452301;
	v2 =	vimm.s32 $0xDCFE98BA;
	v3 =	vimm.s32 $0x54761032  }
0x5: {  	s1 =	rddreg [dreg:$0x4];
	v4 =	vimm.s32 $0xBA98FEDC;
	v5 =	vimm.s32 $0x32107654;
	v6 =	vimm.s32 $0xFEDCBA98  }
0x6: {  	s4 =	simm.s32 $0x0;
	s6 =	srdreg.scid;
	v7 =	vimm.s32 $0x76543210;
	s13 =	simm.s32 $0x2;
	v0 =	vunpack.c.l.s4.s8 v0;
	v1 =	vunpack.c.l.s4.s8 v1  }
0x7: {  	s14 =	simm.s32 $0x7FD0;
	s15 =	simm.s32 $0x8010;
	s16 =	simm.s32 $0x68;
	v2 =	vunpack.c.l.s4.s8 v2;
	v3 =	vunpack.c.l.s4.s8 v3;
	v4 =	vunpack.c.l.s4.s8 v4  }
0x8: {  	s17 =	simm.s32 $0xD0;
	s18 =	simm.s32 $0x1AD0;
	s19 =	simm.s32 $0x1;
	v5 =	vunpack.c.l.s4.s8 v5;
	v6 =	vunpack.c.l.s4.s8 v6;
	v7 =	vunpack.c.l.s4.s8 v7  }
0x9: {  	s20 =	simm.s32 $0x34D0;
	s21 =	simm.s32 $0x0;
	[smem:$0x7FF] =	sst s4;
	v0 =	vunpack.c.0.s8.s32 v0;
	v1 =	vunpack.c.0.s8.s32 v1;
	v2 =	vunpack.c.0.s8.s32 v2  }
0xa: {  	s5 =	sadd.s32 $0xF47200, s8;
	s10 =	sand.u32 $0x1, s6;
	s6 =	sadd.s32 $0x1AE00, s8;
	v3 =	vunpack.c.0.s8.s32 v3;
	v4 =	vunpack.c.0.s8.s32 v4;
	v5 =	vunpack.c.0.s8.s32 v5  }
0xb: {  	s7 =	sadd.s32 $0xE00, s8;
	s9 =	sadd.s32 $0x34E00, s8;
	s11 =	ssub.s32 $0x2, s10;
	v0 =	vcombine.low v1, v0;
	v1 =	vunpack.c.0.s8.s32 v6  }
0xc: {  	s8 =	stileid.u32;
	_ =	strace $0x80000047;
	s12 =	sshrl.u32 s11, $0x1;
	v2 =	vcombine.low v3, v2;
	v3 =	vcombine.low v5, v4;
	v4 =	vunpack.c.0.s8.s32 v7  }
0xd: {  	s31 =	sshll.u32 s8, $0x9;
	s10 =	sshll.u32 s10, $0x8;
	s11 =	ssub.s32 s11, s12;
	v0 =	vand.u32 $0xF, v0;
	v5 =	vand.u32 $0xF, v1  }
0xe: {  	s10 =	sor.u32 s10, s31;
	s12 =	simm.s32 $0x4DD0;
	s11 =	smax.u32 s11, $0x1;
	v1 =	vand.u32 $0xF, v2;
	v2 =	vand.u32 $0xF, v3;
	v3 =	vcombine.low v5, v4  }
.LBB2_1:
0xf: {  	[tilespmem:s12], [sflag:$0x2] =	stream.linear.gather [hbm4b:s9+s4], $0x3200, $0x38;
	[tilespmem:$0x8050] =	vst v63  }
0x10: {  	_ =	swait.ge [sflag:s13], $0x3200  }
0x11: {  	[sflag:s13] =	ssyncset.done $0x0  }
0x12: {  	[sflag:s13] =	ssyncadd.s32 $0xFFFFCE00  }
0x13: {  	[tilespmem:s14], [sflag:$0x2] =	stream.linear.gather [hbm4b:s0+s4], $0x40, $0x38;
	[tilespmem:$0x8050] =	vst v63  }
0x14: {  	_ =	swait.ge [sflag:s13], $0x40  }
0x15: {  	[sflag:s13] =	ssyncset.done $0x0  }
0x16: {  	[sflag:s13] =	ssyncadd.s32 $0xFFFFFFC0  }
0x17: {  	[tilespmem:s15], [sflag:$0x2] =	stream.linear.gather [hbm4b:s2+s4], $0x40, $0x38;
	[tilespmem:$0x8050] =	vst v63  }
0x18: {  	_ =	swait.ge [sflag:s13], $0x40  }
0x19: {  	[sflag:s13] =	ssyncset.done $0x0  }
0x1a: {  	[sflag:s13] =	ssyncadd.s32 $0xFFFFFFC0  }
0x1b: {  	v4 =	vld [tilespmem:$0x7FD0]  }
0x1c: {  	v5 =	vld [tilespmem:$0x7FE0]  }
0x1d: {  	v6 =	vld [tilespmem:$0x7FF0]  }
0x1e: {  	v7 =	vld [tilespmem:$0x8000]  }
0x1f: {  	v8 =	vld [tilespmem:$0x8010]  }
0x20: {  	v9 =	vld [tilespmem:$0x8020]  }
0x21: {  	v10 =	vld [tilespmem:$0x8030]  }
0x22: {  	s22 =	simm.s32 $0x0;
	v11 =	vld [tilespmem:$0x8040]  }
.LBB2_2:
0x23: {  	s23 =	sadd.s32 s10, s22  }
0x24: {  	s24 =	smul.u32 $0xD, s23;
	_ =	sdelay $0x1  }
0x25: {  	s25 =	sadd.s32 s6, s24  }
0x26: {  	[tilespmem:s4], [sflag:$0x2] =	stream.linear.gather [hbm4b:s25+s4], $0x68, $0x38;
	[tilespmem:$0x8050] =	vst v63  }
0x27: {  	_ =	swait.ge [sflag:s13], $0x68  }
0x28: {  	[sflag:s13] =	ssyncset.done $0x0  }
0x29: {  	s24 =	sadd.s32 s7, s24;
	[sflag:s13] =	ssyncadd.s32 $0xFFFFFF98  }
0x2a: {  	[tilespmem:s16], [sflag:$0x2] =	stream.linear.gather [hbm4b:s24+s4], $0x68, $0x38;
	[tilespmem:$0x8050] =	vst v63  }
0x2b: {  	_ =	swait.ge [sflag:s13], $0x68  }
0x2c: {  	[sflag:s13] =	ssyncset.done $0x0  }
0x2d: {  	[sflag:s13] =	ssyncadd.s32 $0xFFFFFF98  }
0x2e: {  	[tilespmem:s17], [sflag:$0x1] =	stream.indirect.gather [hbm4b:s5+s16], $0x40, s4, s16, $0xb8;
	[tilespmem:$0x8050] =	vst v63  }
0x2f: {  	_ = 	snop  }
0x30: {  	[tilespmem:s18], [sflag:$0x1] =	stream.indirect.gather [hbm4b:s5+s16], $0x40, s16, s16, $0xb8;
	[tilespmem:$0x8050] =	vst v63  }
0x31: {  	_ =	swait.ge [sflag:s19], $0x1A00  }
0x32: {  	[sflag:s19] =	ssyncset.done $0x0  }
0x33: {  	[sflag:s19] =	ssyncadd.s32 $0xFFFFE600  }
0x34: {  	_ =	swait.ge [sflag:s19], $0x1A00  }
0x35: {  	[sflag:s19] =	ssyncset.done $0x0  }
0x36: {  	s24 =	simm.s32 $0x30;
	[sflag:s19] =	ssyncadd.s32 $0xFFFFE600  }
0x37: {  	s31 =	sand.u32 $0x1, s22;
	v13 =	vld [tilespmem:s24+$0xA0]  }
0x38: {  	p0 =	seq.s32 s31, $0x1;
	s25 =	simm.s32 $0x66D0;
	v14 =	vld [tilespmem:s24+$0x1AA0]  }
0x39: {  	s25 =	simm.s32 @!p0 $0x4DD0;
	v15 =	vld [tilespmem:s24+$0xB0]  }
0x3a: {  	v12 =	vmov s25;
	v16 =	vld [tilespmem:s24+$0x1AB0]  }
0x3b: {  	v17 =	vld [tilespmem:s24+$0xC0]  }
0x3c: {  	v19 =	vld [tilespmem:s24+$0x1AC0]  }
0x3d: {  	v20 =	vld [tilespmem:s24+$0xD0]  }
0x3e: {  	v21 =	vld [tilespmem:s24+$0x1AD0]  }
0x3f: {  	v18 =	vld.idx.msk [tilespmem:v12+s24+$0xFFFFFFE0 ss:$0x1], $0xffff  }
0x40: {  	v22 =	vld.idx.msk [tilespmem:v12+s24+$0xFFFFFFF0 ss:$0x1], $0xffff  }
0x41: {  	s25 =	simm.s32 $0x1C0;
	v23 =	vld.idx.msk [tilespmem:v12+s24+$0x0 ss:$0x1], $0xffff  }
.LBB2_3:
0x42: {  	p0 =	sne.s32 s25, $0x63C0;
	v24 =	vld.idx.msk [tilespmem:v12+s24+$0xFFFFFFD0 ss:$0x1], $0xffff;
	_ =	sdelay $0x2  }
0x43: {  	v17 =	vadd.f32 v19, v17;
	v19 =	vadd.f32 v21, v20  }
0x44: {  	v13 =	vadd.f32 v14, v13;
	v14 =	vadd.f32 v16, v15  }
0x45: {  	v15 =	vadd.f32 v22, v17;
	v16 =	vadd.f32 v23, v19  }
0x46: {  	v14 =	vadd.f32 v18, v14;
	v13 =	vadd.f32 v24, v13;
	_ =	sdelay $0x1  }
0x47: {  	v18 =	vadd.f32 v16, v15;
	v17 =	vadd.f32 v14, v13;
	_ =	sdelay $0x1  }
0x48: {  	v17 =	vadd.f32 v18, v17;
	_ =	sdelay $0x1  }
0x49: {  	v18 =	vperm.xlane v17, v0;
	_ =	sdelay $0x1  }
0x4a: {  	v17 =	vadd.f32 v17, v18;
	_ =	sdelay $0x1  }
0x4b: {  	v18 =	vperm.xlane v17, v1;
	_ =	sdelay $0x1  }
0x4c: {  	v17 =	vadd.f32 v17, v18;
	_ =	sdelay $0x1  }
0x4d: {  	v18 =	vperm.xlane v17, v2;
	_ =	sdelay $0x1  }
0x4e: {  	v17 =	vadd.f32 v17, v18;
	_ =	sdelay $0x1  }
0x4f: {  	v18 =	vperm.xlane v17, v3;
	_ =	sdelay $0x1  }
0x50: {  	v17 =	vadd.f32 v17, v18;
	_ =	sdelay $0x1  }
0x51: {  	v17 =	vmul.f32 $1.562500000e-02, v17;
	_ =	sdelay $0x1  }
0x52: {  	v13 =	vsub.f32 v13, v17;
	v14 =	vsub.f32 v14, v17  }
0x53: {  	v15 =	vsub.f32 v15, v17;
	v16 =	vsub.f32 v16, v17  }
0x54: {  	v17 =	vmul.f32 v13, v13;
	v18 =	vmul.f32 v14, v14  }
0x55: {  	v19 =	vmul.f32 v15, v15;
	v20 =	vmul.f32 v16, v16;
	_ =	sdelay $0x1  }
0x56: {  	v17 =	vadd.f32 v18, v17;
	v18 =	vadd.f32 v20, v19;
	_ =	sdelay $0x1  }
0x57: {  	v17 =	vadd.f32 v18, v17;
	_ =	sdelay $0x1  }
0x58: {  	v18 =	vperm.xlane v17, v0;
	_ =	sdelay $0x1  }
0x59: {  	v17 =	vadd.f32 v17, v18;
	_ =	sdelay $0x1  }
0x5a: {  	v18 =	vperm.xlane v17, v1;
	_ =	sdelay $0x1  }
0x5b: {  	v17 =	vadd.f32 v17, v18;
	_ =	sdelay $0x1  }
0x5c: {  	v18 =	vperm.xlane v17, v2;
	_ =	sdelay $0x1  }
0x5d: {  	v17 =	vadd.f32 v17, v18;
	_ =	sdelay $0x1  }
0x5e: {  	v18 =	vperm.xlane v17, v3;
	_ =	sdelay $0x1  }
0x5f: {  	v17 =	vadd.f32 v17, v18;
	_ =	sdelay $0x1  }
0x60: {  	v17 =	vmul.f32 $1.562500000e-02, v17;
	_ =	sdelay $0x1  }
0x61: {  	v17 =	vadd.f32 $9.999999960e-13, v17;
	_ =	sdelay $0x1  }
0x62: {  	v18 =	vshra.s32 v17, $0x1;
	v17 =	vmul.f32 $5.000000000e-01, v17  }
0x63: {  	v18 =	vsub.s32 $0x5F3759DF, v18  }
0x64: {  	v19 =	vmul.f32 v18, v17;
	_ =	sdelay $0x1  }
0x65: {  	v19 =	vmul.f32 v18, v19;
	_ =	sdelay $0x1  }
0x66: {  	v19 =	vsub.f32 $1.500000000e+00, v19;
	_ =	sdelay $0x1  }
0x67: {  	v18 =	vmul.f32 v18, v19;
	_ =	sdelay $0x1  }
0x68: {  	v19 =	vmul.f32 v18, v17;
	_ =	sdelay $0x1  }
0x69: {  	v19 =	vmul.f32 v19, v18;
	_ =	sdelay $0x1  }
0x6a: {  	v19 =	vsub.f32 $1.500000000e+00, v19;
	_ =	sdelay $0x1  }
0x6b: {  	v18 =	vmul.f32 v19, v18;
	_ =	sdelay $0x1  }
0x6c: {  	v17 =	vmul.f32 v18, v17;
	_ =	sdelay $0x1  }
0x6d: {  	v17 =	vmul.f32 v17, v18;
	_ =	sdelay $0x1  }
0x6e: {  	v17 =	vsub.f32 $1.500000000e+00, v17;
	_ =	sdelay $0x1  }
0x6f: {  	v17 =	vmul.f32 v17, v18;
	_ =	sdelay $0x1  }
0x70: {  	v15 =	vmul.f32 v17, v15;
	v16 =	vmul.f32 v17, v16  }
0x71: {  	s26 =	sshra.s32 s25, $0x2;
	v18 =	vmul.f32 v17, v13;
	v17 =	vmul.f32 v17, v14  }
0x72: {  	v19 =	vmul.f32 v15, v6;
	v16 =	vmul.f32 v16, v7;
	v13 =	vld [tilespmem:s26+$0xA0]  }
0x73: {  	v18 =	vmul.f32 v18, v4;
	v17 =	vmul.f32 v17, v5;
	v14 =	vld [tilespmem:s26+$0x1AA0]  }
0x74: {  	v20 =	vadd.f32 v19, v10;
	v19 =	vadd.f32 v16, v11;
	v15 =	vld [tilespmem:s26+$0xB0]  }
0x75: {  	v18 =	vadd.f32 v18, v8;
	v21 =	vadd.f32 v17, v9;
	v16 =	vld [tilespmem:s26+$0x1AB0]  }
0x76: {  	v17 =	vld [tilespmem:s26+$0xC0];
	[tilespmem:s24+$0x34D0] =	vst v19  }
0x77: {  	v19 =	vld [tilespmem:s26+$0x1AC0];
	[tilespmem:s24+$0x34C0] =	vst v20  }
.Ltmp0:
0x78: {  	v20 =	vld [tilespmem:s26+$0xD0];
	[tilespmem:s24+$0x34B0] =	vst v21;
	(pc) =	sbr.rel @p0 .LBB2_3-.Ltmp0, $4  }
0x79: {  	v21 =	vld [tilespmem:s26+$0x1AD0];
	[tilespmem:s24+$0x34A0] =	vst v18;
	s24 =	smov.u32 s26  }
0x7a: {  	v18 =	vld.idx.msk [tilespmem:v12+s24+$0xFFFFFFE0 ss:$0x1], $0xffff  }
0x7b: {  	v22 =	vld.idx.msk [tilespmem:v12+s24+$0xFFFFFFF0 ss:$0x1], $0xffff  }
0x7c: {  	s25 =	sadd.s32 $0x100, s25;
	v23 =	vld.idx.msk [tilespmem:v12+s24+$0x0 ss:$0x1], $0xffff  }
0x7d: {  	_ =	sdelay $0x3  }
0x7e: {  	v12 =	vld.idx.msk [tilespmem:v12+s24+$0xFFFFFFD0 ss:$0x1], $0xffff;
	_ =	sdelay $0x1  }
0x7f: {  	v17 =	vadd.f32 v19, v17;
	v53 =	vadd.f32 v16, v15  }
0x80: {  	v13 =	vadd.f32 v14, v13;
	v52 =	vadd.f32 v21, v20  }
0x81: {  	v56 =	vadd.f32 v18, v53;
	v54 =	vadd.f32 v22, v17  }
0x82: {  	v55 =	vadd.f32 v23, v52;
	v12 =	vadd.f32 v12, v13;
	_ =	sdelay $0x1  }
0x83: {  	v17 =	vadd.f32 v55, v54;
	v14 =	vadd.f32 v56, v12;
	_ =	sdelay $0x1  }
0x84: {  	v14 =	vadd.f32 v17, v14;
	_ =	sdelay $0x1  }
0x85: {  	v17 =	vperm.xlane v14, v0;
	_ =	sdelay $0x1  }
0x86: {  	v14 =	vadd.f32 v14, v17;
	_ =	sdelay $0x1  }
0x87: {  	v17 =	vperm.xlane v14, v1;
	_ =	sdelay $0x1  }
0x88: {  	v14 =	vadd.f32 v14, v17;
	_ =	sdelay $0x1  }
0x89: {  	v17 =	vperm.xlane v14, v2;
	_ =	sdelay $0x1  }
0x8a: {  	v14 =	vadd.f32 v14, v17;
	_ =	sdelay $0x1  }
0x8b: {  	v17 =	vperm.xlane v14, v3;
	_ =	sdelay $0x1  }
0x8c: {  	v14 =	vadd.f32 v14, v17;
	_ =	sdelay $0x1  }
0x8d: {  	v14 =	vmul.f32 $1.562500000e-02, v14;
	_ =	sdelay $0x1  }
0x8e: {  	v12 =	vsub.f32 v12, v14;
	v13 =	vsub.f32 v56, v14  }
0x8f: {  	v15 =	vsub.f32 v54, v14;
	v14 =	vsub.f32 v55, v14  }
0x90: {  	v57 =	vmul.f32 v12, v12;
	v58 =	vmul.f32 v13, v13  }
0x91: {  	v59 =	vmul.f32 v15, v15;
	v60 =	vmul.f32 v14, v14;
	_ =	sdelay $0x1  }
0x92: {  	v16 =	vadd.f32 v58, v57;
	v61 =	vadd.f32 v60, v59;
	_ =	sdelay $0x1  }
0x93: {  	v16 =	vadd.f32 v61, v16;
	_ =	sdelay $0x1  }
0x94: {  	v17 =	vperm.xlane v16, v0;
	_ =	sdelay $0x1  }
0x95: {  	v16 =	vadd.f32 v16, v17;
	_ =	sdelay $0x1  }
0x96: {  	v17 =	vperm.xlane v16, v1;
	_ =	sdelay $0x1  }
0x97: {  	v16 =	vadd.f32 v16, v17;
	_ =	sdelay $0x1  }
0x98: {  	v17 =	vperm.xlane v16, v2;
	_ =	sdelay $0x1  }
0x99: {  	v16 =	vadd.f32 v16, v17;
	_ =	sdelay $0x1  }
0x9a: {  	v17 =	vperm.xlane v16, v3;
	_ =	sdelay $0x1  }
0x9b: {  	v16 =	vadd.f32 v16, v17;
	_ =	sdelay $0x1  }
0x9c: {  	v16 =	vmul.f32 $1.562500000e-02, v16;
	_ =	sdelay $0x1  }
0x9d: {  	v16 =	vadd.f32 $9.999999960e-13, v16;
	_ =	sdelay $0x1  }
0x9e: {  	v62 =	vshra.s32 v16, $0x1;
	v16 =	vmul.f32 $5.000000000e-01, v16  }
0x9f: {  	v17 =	vsub.s32 $0x5F3759DF, v62  }
0xa0: {  	v63 =	vmul.f32 v17, v16;
	_ =	sdelay $0x1  }
0xa1: {  	v18 =	vmul.f32 v17, v63;
	_ =	sdelay $0x1  }
0xa2: {  	v18 =	vsub.f32 $1.500000000e+00, v18;
	_ =	sdelay $0x1  }
0xa3: {  	v17 =	vmul.f32 v17, v18;
	_ =	sdelay $0x1  }
0xa4: {  	v18 =	vmul.f32 v17, v16;
	_ =	sdelay $0x1  }
0xa5: {  	v18 =	vmul.f32 v18, v17;
	_ =	sdelay $0x1  }
0xa6: {  	v18 =	vsub.f32 $1.500000000e+00, v18;
	_ =	sdelay $0x1  }
0xa7: {  	v17 =	vmul.f32 v18, v17;
	_ =	sdelay $0x1  }
0xa8: {  	v16 =	vmul.f32 v17, v16;
	_ =	sdelay $0x1  }
0xa9: {  	v16 =	vmul.f32 v16, v17;
	_ =	sdelay $0x1  }
0xaa: {  	v16 =	vsub.f32 $1.500000000e+00, v16;
	_ =	sdelay $0x1  }
0xab: {  	v16 =	vmul.f32 v16, v17;
	_ =	sdelay $0x1  }
0xac: {  	v14 =	vmul.f32 v16, v14  }
0xad: {  	v15 =	vmul.f32 v16, v15  }
0xae: {  	v13 =	vmul.f32 v16, v13;
	v14 =	vmul.f32 v14, v7  }
0xaf: {  	v12 =	vmul.f32 v16, v12;
	v15 =	vmul.f32 v15, v6  }
0xb0: {  	v13 =	vmul.f32 v13, v5;
	v14 =	vadd.f32 v14, v11  }
0xb1: {  	v12 =	vmul.f32 v12, v4;
	v15 =	vadd.f32 v15, v10  }
0xb2: {  	v13 =	vadd.f32 v13, v9;
	[tilespmem:s24+$0x34D0] =	vst v14  }
0xb3: {  	s23 =	smul.u32 $0x320, s23;
	s22 =	sadd.s32 $0x1, s22;
	v12 =	vadd.f32 v12, v8;
	[tilespmem:s24+$0x34C0] =	vst v15  }
0xb4: {  	p0 =	sne.s32 s22, $0x100;
	[tilespmem:s24+$0x34B0] =	vst v13  }
.Ltmp1:
0xb5: {  	s23 =	sadd.s32 s3, s23;
	[tilespmem:s24+$0x34A0] =	vst v12;
	(pc) =	sbr.rel @p0 .LBB2_2-.Ltmp1, $4  }
0xb6: {  	[hbm4b:s23+s4] =	stream.linear.scatter [tilespmem:s20], [sflag:$0x2], $0x1900, $0x38;
	[tilespmem:$0x8050] =	vst v63  }
0xb7: {  	_ =	swait.ge [sflag:s13], $0x1900  }
0xb8: {  	[sflag:s13] =	ssyncset.done $0x0  }
0xb9: {  	[sflag:s13] =	ssyncadd.s32 $0xFFFFE700  }
0xba: {  	s21 =	sadd.s32 $0x1, s21  }
0xbb: {  	p0 =	sne.s32 s21, s11  }
.Ltmp2:
0xbc: {  	_ = 	snop;
	(pc) =	sbr.rel @p0 .LBB2_1-.Ltmp2, $1  }
0xbd: {  	_ =	sdelay $0x3  }
0xbe: {  	_ =	sfence.sel $0x180000  }
0xbf: {  	[bflag:$0x0] =	sbarrier.arrive $0xFFFF  }
0xc0: {  	p0 =	sne.s32 s8, $0x0;
	_ =	strace $0x90000047  }
0xc1: {  	s0 =	sadd.s32 @!p0 $0x100000, s1;
	[bflag:$0x2] =	sbarrier.arrive $0xFFFF  }
0xc2: {  	[sflag:s0] =	ssyncadd.tile.s32 @!p0 $0x1;
	_ =	shalt  }
.Lfunc_end2:
_tile_overlayer_lowered:
.L_overlay_start_2:
0xc3: {  	(tag) =	ssettag $0x2  }
0xc4: {  	s0 =	rddreg [dreg:$0x0];
	s2 =	stileid.u32  }
0xc5: {  	s1 =	rddreg [dreg:$0x1];
	p0 =	sne.s32 s2, $0x0  }
0xc6: {  	s3 =	rddreg [dreg:$0x2];
	[bflag:$0x3] =	sbarrier.arrive $0xFFFF;
	s2 =	simm.s32 @!p0 $0x1C02  }
0xc7: {  	[timem:s3], [sflag:s2] =	dma.local @!p0 [hbm:s0], s1  }
0xc8: {  	s0 =	simm.s32 @!p0 $0x2  }
0xc9: {  	_ =	swait.ge @!p0 [sflag:s0], s1  }
0xca: {  	s1 =	ssub.s32 @!p0 $0x0, s1;
	[sflag:s0] =	ssyncset.done @!p0 $0x0  }
0xcb: {  	[sflag:s0] =	ssyncadd.s32 @!p0 s1  }
0xcc: {  	[bflag:$0x3] =	sbarrier.arrive $0xFFFF  }
0xcd: {  	_ =	shalt  }

// kernel: sparse-core-data-format-call.cloned.1.call-start
scs
called_computation_lowered:
.L_overlay_start_0:
0x0: {  	s2 =	sld [smem:$0x3FD9]  }
0x1: {  	s3 =	sld [smem:$0x3FFE];
	_ =	sdelay $0x1  }
0x2: {  	s1 =	srdreg.scid  }
0x3: {  	s0 =	sand.u32 $0x1, s1  }
0x4: {  	s18 =	sshll.u32 s0, $0xA;
	s2 =	sadd.s32 s3, s2  }
0x5: {  	s2 =	sadd.s32 s2, s18  }
0x6: {  	[smem:$0x3FC2] =	sst s2  }
0x7: {  	_ = 	snop  }
0x8: {  	s2 =	sld [smem:$0x3FD0];
	(tm) =	ssettm $0x1  }
0x9: {  	s19 =	sld [smem:$0x3FFB];
	_ =	sdelay $0x3  }
0xa: {  	_ =	strace s19  }
0xb: {  	s3 =	sld [smem:$0x3FFC];
	_ =	sdelay $0x3  }
0xc: {  	_ =	strace s3  }
0xd: {  	s3 =	sld [smem:$0x3FFD];
	_ =	sdelay $0x3  }
0xe: {  	_ =	strace s3  }
0xf: {  	_ =	strace $0x8FFFFFFF  }
0x10: {  	s20 =	sld [smem:$0x3FDB];
	_ =	sdelay $0x1  }
0x11: {  	s4 =	simm.s32 $_scs_section_size  }
0x12: {  	s5 =	simm.s32 $_size__tile_overlayer_lowered;
	s6 =	simm.s32 $_tile_overlayer_lowered  }
0x13: {  	s23 =	simm.s32 $0x1BFF;
	s22 =	sshll.u32 s6, $0x1;
	s3 =	sadd.s32 s4, s20  }
0x14: {  	s7 =	simm.s32 $0x0;
	s21 =	sshll.u32 s5, $0x1;
	s5 =	sadd.s32 s22, s3  }
0x15: {  	[timem:s7], [sflag:s23] =	dma.local [hbm:s5], s21  }
0x16: {  	_ =	swait.ge [sflag:s23], s21  }
0x17: {  	s4 =	ssub.s32 $0x0, s21;
	[sflag:s23] =	ssyncset.done $0x0  }
0x18: {  	[sflag:s23] =	ssyncadd.s32 s4;
	_ =	sdelay $0x1  }
0x19: {  	s24 =	simm.s32 $0x1B8B  }
0x1a: {  	_ =	swait.ge [sflag:s24], $0x1  }
0x1b: {  	[sflag:s24] =	ssyncset.done $0x0  }
0x1c: {  	s26 =	simm.s32 $0x1B8E;
	s25 =	sld [smem:$0x3FFE];
	[sflag:s24] =	ssyncadd.s32 $0xFFFFFFFF  }
0x1d: {  	s27 =	simm.s32 $execute0_lowered;
	[smem:$0x3FD2] =	sst s26  }
0x1e: {  	s5 =	sshll.u32 s27, $0x1;
	_ =	strace $0x80000049;
	[dreg:$0x1] =	wrdreg $0xFFFFFFFF  }
0x1f: {  	s28 =	simm.s32 $_size_execute0_lowered;
	s3 =	sadd.s32 s3, s5;
	[dreg:$0x0] =	wrdreg $0x0  }
0x20: {  	s5 =	sshll.u32 s28, $0x1;
	[dreg:$0x2] =	wrdreg s3  }
0x21: {  	[dreg:$0x3] =	wrdreg s5  }
0x22: {  	[dreg:$0x4] =	wrdreg $0xC0  }
0x23: {  	_ =	task [dreg:s7], $0x5FFFF  }
0x24: {  	[dreg:$0x1] =	wrdreg $0xFFFFFFFF  }
0x25: {  	[dreg:$0x0] =	wrdreg $0x60  }
0x26: {  	[dreg:$0x2] =	wrdreg s25  }
0x27: {  	[dreg:$0x3] =	wrdreg s2  }
0x28: {  	[dreg:$0x4] =	wrdreg $0x9  }
0x29: {  	_ =	task.clear_ibuf [dreg:s7], $0x5FFFF;
	_ =	strace $0x90000049  }
0x2a: {  	s29 =	simm.s32 $0x9;
	_ =	strace $0x8000004B  }
0x2b: {  	_ =	swait.ge [sflag:s29], $0x1  }
0x2c: {  	[sflag:s29] =	ssyncadd.s32 $0xFFFFFFFF  }
0x2d: {  	_ =	strace $0x9000004B  }
0x2e: {  	_ =	sfence  }
0x2f: {  	s30 =	sld [smem:$0x0];
	_ =	sdelay $0x2  }
0x30: {  	s31 =	sshll.u32 s1, $0xD;
	s1 =	sshrl.u32 s1, $0x2  }
0x31: {  	s3 =	sand.u32 $0x4000, s31;
	s1 =	sadd.s32 s1, s30  }
0x32: {  	s0 =	sor.u32 s3, s0;
	s1 =	sshll.u32 s1, $0x11  }
0x33: {  	s0 =	sor.u32 s1, s0  }
0x34: {  	s0 =	sadd.s32 $0x8F2B, s0  }
0x35: {  	[sflag:s0] =	ssyncadd.remote.s32 $0x1  }
0x36: {  	_ =	sfence.sel $0xFFFF  }
0x37: {  	[dreg:$0x0] =	wrdreg $0xFFFFFFFF;
	(pc) =	sbr.abs _section_cstart, $3  }
0x38: {  	[dreg:$0x1] =	wrdreg $0xFFFFFFFF  }
0x39: {  	_ =	task.clear_ibuf [dreg:s7], $0x2FFFF;
	_ =	strace $0x9FFFFFFF  }
0x3a: {  	(tm) =	ssettm $0x7FFFFFFF  }
0x3b: {  	_ =	shalt  }
tec
execute0_lowered:
.L_overlay_start_1:
0x0: {  	(tag) =	ssettag $0x1  }
0x1: {  	s0 =	srdreg.scid  }
0x2: {  	s1 =	sshll.u32 s0, $0x4  }
0x3: {  	s0 =	stileid.u32;
	s1 =	sand.u32 $0x10, s1  }
0x4: {  	s1 =	sor.u32 s0, s1  }
0x5: {  	s6 =	rddreg [dreg:$0x0];
	s4 =	simm.s32 $0x1;
	s2 =	sshll.u32 s1, $0x7  }
0x6: {  	s7 =	simm.s32 $0x2;
	s12 =	simm.s32 $0x0;
	s1 =	ssub.s32 $0x2000, s2  }
0x7: {  	s8 =	simm.s32 $0x10000;
	s13 =	simm.s32 $0x0;
	s3 =	sand.u32 $0xF80, s1  }
0x8: {  	s9 =	simm.s32 $0x0;
	s5 =	sshrl.u32 s1, $0xC;
	p0 =	sne.s32 s3, $0x0  }
.Ltmp0:
0x9: {  	s1 =	rddreg [dreg:$0x2];
	s4 =	simm.s32 @!p0 $0x0;
	(pc) =	sbr.rel .LBB1_1-.Ltmp0, $4  }
0xa: {  	s11 =	simm.s32 $0x0;
	s3 =	rddreg [dreg:$0x1];
	s5 =	sadd.s32 s4, s5  }
0xb: {  	_ =	strace $0x8000004A;
	s4 =	simm.s32 $0x1;
	s5 =	smul.u32 $0x64, s5  }
0xc: {  	s6 =	sadd.s32 $0xE00, s6;
	s10 =	smov.u32 s2;
	[sflag:s4] =	ssyncpa.u1 $0x0  }
0xd: {  	p0 =	por $0x0, $0x0;
	[sflag:s7] =	ssyncpa.u1 $0x0;
	s7 =	sor.u32 $0x1, s5  }
.LBB1_4:
0xe: {  	s16 =	sshll.u32 s13, $0x3;
	s17 =	sand.u32 $0x78, s13  }
0xf: {  	s30 =	sand.u32 $0xFC00, s13;
	s12 =	sshll.u32 s12, $0x10;
	s16 =	sand.u32 $0x1C00, s16  }
0x10: {  	[tilespmem:s15+$0x810 ss:$0x81] =	vst.msk $0xffff, v2;
	s31 =	sand.u32 $0x7, s13;
	s16 =	sor.u32 s17, s16;
	s17 =	sadd.s32 s3, s30  }
0x11: {  	[tilespmem:s15+$0x1020 ss:$0x81] =	vst.msk $0xffff, v0;
	s13 =	sshll.u32 s31, $0x12;
	s12 =	sadd.s32 s12, s17;
	s16 =	sshrl.u32 s16, $0x3  }
0x12: {  	[tilespmem:s15+$0x0 ss:$0x81] =	vst.msk $0xffff, v1;
	s13 =	sor.u32 $0x400, s13;
	s12 =	sadd.s32 s16, s12  }
0x13: {  	[hbm4b:s12+s13] =	stream.strided.scatter [tilespmem:s14], [sflag:$0x2], $0x2000, s8, s13, $0x20;
	[tilespmem:$0x8080] =	vst v63  }
.LBB1_5:
0x14: {  	s14 =	sadd.s32 $0x1, s9  }
0x15: {  	s12 =	sadd.s32 $0x1000, s10;
	s16 =	smov.u32 s10;
	p2 =	sgt.s32 s14, $0x63  }
0x16: {  	s16 =	smov.u32 @p2 s12  }
0x17: {  	s14 =	simm.s32 @p2 $0x0;
	p2 =	sgt.s32 s16, $0x1FFF  }
0x18: {  	s16 =	smov.u32 @p2 s2;
	p2 =	sne.s32 s11, s7  }
.Ltmp1:
0x19: {  	p1 =	slt.u32 s11, $0x2;
	(pc) =	sbr.rel @!p2 .LBB1_6-.Ltmp1, $4  }
0x1a: {  	s15 =	simm.s32 @!p1 $0x2  }
0x1b: {  	s13 =	smov.u32 s10;
	p0 =	por !p0, !p0;
	_ =	swait.ge @!p1 [sflag:s15], $0x2000  }
0x1c: {  	s12 =	smov.u32 s9;
	[sflag:s15] =	ssyncset.done @!p1 $0x0;
	s9 =	smov.u32 s14  }
0x1d: {  	s11 =	sadd.s32 $0x1, s11;
	[sflag:s15] =	ssyncadd.s32 @!p1 $0xFFFFE000;
	s10 =	smov.u32 s16  }
.LBB1_1:
0x1e: {  	p1 =	sge.u32 s11, s5  }
0x1f: {  	s14 =	sand.u32 @!p1 $0x1FFFFFF, s9  }
0x20: {  	s15 =	smulhi.u32 @!p1 $0x2762763, s14;
	_ =	sdelay $0x1  }
0x21: {  	s15 =	smul.u32 @!p1 $0x68, s15  }
0x22: {  	s16 =	sxor.u32 @!p1 $0xFFFFFFFF, s11;
	s17 =	smul.u32 @!p1 $0x680, s10  }
0x23: {  	s31 =	sadd.s32 $0xFFFFFFFF, s11;
	s16 =	sshll.u32 @!p1 s16, $0xD;
	s14 =	ssub.s32 @!p1 s14, s15  }
0x24: {  	s15 =	sand.u32 @!p1 $0x2000, s16;
	s16 =	sadd.s32 @!p1 s6, s17;
	s14 =	sshll.u32 @!p1 s14, $0x4  }
0x25: {  	s17 =	simm.s32 @!p1 $0x3400;
	s14 =	sadd.s32 @!p1 s14, s16;
	s16 =	simm.s32 @!p1 $0x40  }
0x26: {  	[tilespmem:s15], [sflag:$0x1] =	stream.strided.gather @!p1 [hbm4b:s14+s16], $0x2000, s17, s16, $0x38;
	[tilespmem:$0x8080] =	vst v63  }
0x27: {  	p1 =	sge.u32 s31, s5  }
.Ltmp2:
0x28: {  	_ = 	snop;
	(pc) =	sbr.rel @p1 .LBB1_5-.Ltmp2, $1  }
0x29: {  	_ =	sdelay $0x3  }
0x2a: {  	s14 =	simm.s32 $0x1  }
0x2b: {  	_ =	swait.ge [sflag:s4], $0x2000;
	s14 =	simm.s32 @!p0 $0x0  }
0x2c: {  	[sflag:s4] =	ssyncset.done $0x0;
	s15 =	sshll.u32 s14, $0xD  }
0x2d: {  	[sflag:s4] =	ssyncadd.s32 $0xFFFFE000;
	s18 =	sor.u32 $0x20, s15  }
0x2e: {  	s14 =	smul.u32 $0x8100, s14;
	v3 =	vld [tilespmem:s18+$0x10]  }
0x2f: {  	s30 =	sand.u32 $0x1, s11;
	v2 =	vld [tilespmem:s18+$0xFFFFFFF0]  }
0x30: {  	s15 =	smul.u32 $0x8100, s30;
	s14 =	sshrl.u32 s14, $0x2;
	v0 =	vld [tilespmem:s18+$0x0]  }
0x31: {  	v1 =	vld [tilespmem:s18+$0xFFFFFFE0];
	s16 =	sor.u32 $0x4000, s14  }
0x32: {  	s31 =	sshrl.u32 s15, $0x2;
	s15 =	sadd.s32 $0x0, s16  }
0x33: {  	s17 =	simm.s32 $0x4;
	s18 =	sadd.s32 $0x40, s18;
	s14 =	sor.u32 $0x4000, s31;
	[tilespmem:s15+$0x1830 ss:$0x81] =	vst.msk $0xffff, v3  }
.LBB1_3:
0x34: {  	v3 =	vld [tilespmem:s18+$0x10];
	p1 =	sne.s32 s17, $0x1FC;
	[tilespmem:s15+$0x810 ss:$0x81] =	vst.msk $0xffff, v2;
	s19 =	smov.u32 s17;
	s17 =	sadd.s32 $0x4, s17  }
.Ltmp3:
0x35: {  	v2 =	vld [tilespmem:s18+$0xFFFFFFF0];
	[tilespmem:s15+$0x1020 ss:$0x81] =	vst.msk $0xffff, v0;
	(pc) =	sbr.rel @p1 .LBB1_3-.Ltmp3, $4  }
0x36: {  	v0 =	vld [tilespmem:s18+$0x0];
	[tilespmem:s15+$0x0 ss:$0x81] =	vst.msk $0xffff, v1  }
0x37: {  	s15 =	sshra.s32 s19, $0x2;
	v1 =	vld [tilespmem:s18+$0xFFFFFFE0]  }
0x38: {  	s15 =	sadd.s32 s15, s16  }
0x39: {  	s18 =	sadd.s32 $0x40, s18;
	[tilespmem:s15+$0x1830 ss:$0x81] =	vst.msk $0xffff, v3  }
.Ltmp4:
0x3a: {  	_ = 	snop;
	(pc) =	sbr.rel .LBB1_4-.Ltmp4, $1  }
0x3b: {  	_ =	sdelay $0x3  }
.LBB1_6:
0x3c: {  	_ =	sfence.sel $0x180000  }
0x3d: {  	s2 =	simm.s32 $0x1;
	[bflag:$0x0] =	sbarrier.arrive $0xFFFF  }
0x3e: {  	s31 =	simm.s32 $0x2;
	[sflag:s2] =	ssyncpa.u1 $0x1  }
0x3f: {  	[sflag:s31] =	ssyncpa.u1 $0x1  }
0x40: {  	p0 =	sne.s32 s0, $0x0;
	_ =	strace $0x9000004A  }
0x41: {  	s0 =	sadd.s32 @!p0 $0x100000, s1;
	[bflag:$0x2] =	sbarrier.arrive $0xFFFF  }
0x42: {  	[sflag:s0] =	ssyncadd.tile.s32 @!p0 $0x1;
	_ =	shalt  }
.Lfunc_end1:
_tile_overlayer_lowered:
.L_overlay_start_2:
0x43: {  	(tag) =	ssettag $0x2  }
0x44: {  	s0 =	rddreg [dreg:$0x0];
	s2 =	stileid.u32  }
0x45: {  	s1 =	rddreg [dreg:$0x1];
	p0 =	sne.s32 s2, $0x0  }
0x46: {  	s3 =	rddreg [dreg:$0x2];
	[bflag:$0x3] =	sbarrier.arrive $0xFFFF;
	s2 =	simm.s32 @!p0 $0x1C01  }
0x47: {  	[timem:s3], [sflag:s2] =	dma.local @!p0 [hbm:s0], s1  }
0x48: {  	s0 =	simm.s32 @!p0 $0x1  }
0x49: {  	_ =	swait.ge @!p0 [sflag:s0], s1  }
0x4a: {  	s1 =	ssub.s32 @!p0 $0x0, s1;
	[sflag:s0] =	ssyncset.done @!p0 $0x0  }
0x4b: {  	[sflag:s0] =	ssyncadd.s32 @!p0 s1  }
0x4c: {  	[bflag:$0x3] =	sbarrier.arrive $0xFFFF  }
0x4d: {  	_ =	shalt  }

</sc_bundles>
